<compile_context>
chip_gen: v7x
topology: tpu7x:2x2x1
jax: 0.10.2.dev20260603
libtpu: 0.0.44.dev20260713+nightly
codegen_flags: <defaults>
</compile_context>

<pallas_src>
import jax
import jax.numpy as jnp
from jax import lax
from jax.experimental import pallas as pl
from jax.experimental.pallas import tpu as pltpu

B = 64
C = 192
P = 16
H = 14
W = 14
N = H * W
K = 5
PATCH = 3 * P * P


IPS = 4

def _gsat_body(patches_ref, pos_ref, Ws_ref, bstem_ref, W1a_ref, W1b_ref,
               be1_ref, w2c_ref, be2_ref, Wm_ref, bm_ref, Wf1_ref, bf1_ref,
               Wf2_ref, bf2_ref, att_ref, gv_ref):
    f32 = jnp.float32
    ri = lax.broadcasted_iota(jnp.int32, (N, N), 0)
    ci = lax.broadcasted_iota(jnp.int32, (N, N), 1)
    for g in range(IPS):
        patches = patches_ref[g]
        nodes = jnp.dot(patches, Ws_ref[...], preferred_element_type=f32)
        nodes = nodes + bstem_ref[...] + pos_ref[...]
        A = jnp.dot(nodes, W1a_ref[...], preferred_element_type=f32)
        Bm = jnp.dot(nodes, W1b_ref[...], preferred_element_type=f32) \
            + be1_ref[...]

        G = lax.dot_general(nodes, nodes, (((1,), (1,)), ((), ())),
                            preferred_element_type=f32)
        nn = nodes * nodes
        sqrow = lax.dot_general(jnp.ones((1, C), f32), nn,
                                (((1,), (1,)), ((), ())),
                                preferred_element_type=f32,
                                precision=lax.Precision.HIGHEST)
        scores = sqrow - 2.0 * G
        scores = jnp.where(ri == ci, f32(1e10), scores)

        agg = jnp.zeros((N, C), f32)
        logits = []
        fsrcs = []
        for _ in range(K):
            m = jnp.min(scores, axis=1, keepdims=True)
            amin = jnp.min(jnp.where(scores == m, ci, N), axis=1,
                           keepdims=True)
            sel = ci == amin
            onehot = jnp.where(sel, f32(1.0), f32(0.0))
            scores = jnp.where(sel, f32(1e30), scores)
            Asrc = jnp.dot(onehot, A, preferred_element_type=f32)
            Fsrc = jnp.dot(onehot, nodes, preferred_element_type=f32)
            e = jnp.maximum(Asrc + Bm, 0.0)
            logits.append(jnp.dot(e, w2c_ref[...],
                                  preferred_element_type=f32))
            fsrcs.append(Fsrc)
        att = 1.0 / (1.0 + jnp.exp(-(jnp.concatenate(logits, axis=1)
                                     + be2_ref[...])))
        for k in range(K):
            agg = agg + lax.slice(att, (0, k), (N, k + 1)) * fsrcs[k]
        att_ref[g] = att

        ne = jnp.maximum(
            jnp.dot(nodes + agg, Wm_ref[...], preferred_element_type=f32)
            + bm_ref[...], 0.0)
        hidden = jax.nn.gelu(
            jnp.dot(ne, Wf1_ref[...], preferred_element_type=f32)
            + bf1_ref[...])
        nm = ne + jnp.dot(hidden, Wf2_ref[...], preferred_element_type=f32) \
            + bf2_ref[...]
        gv_ref[g, 0, :] = jnp.sum(nm, axis=0) * f32(1.0 / N)


def _head_body(g_ref, Wp1_ref, bp1_ref, gamma_ref, beta_ref, wp2r_ref,
               bp2_ref, out_ref):
    f32 = jnp.float32
    p = jnp.dot(g_ref[...], Wp1_ref[...], preferred_element_type=f32) \
        + bp1_ref[...]
    p = jax.nn.gelu(p * gamma_ref[...] + beta_ref[...])
    out_ref[...] = jnp.sum(p * wp2r_ref[...], axis=1, keepdims=True) \
        + bp2_ref[...]


def kernel(x, W_stem, b_stem, pos_embed, W_e1, b_e1, W_e2, b_e2, W_msg, b_msg,
           W_f1, b_f1, W_f2, b_f2, W_p1, b_p1, gamma, beta, W_p2, b_p2):
    f32 = jnp.float32
    Ws = W_stem.reshape(C, PATCH).T
    pos = pos_embed.transpose(0, 2, 3, 1).reshape(N, C)
    W1a = W_e1[:C]
    W1b = W_e1[C:]

    const2d = lambda: pl.BlockSpec(index_map=lambda i: (0, 0))
    patches = x.reshape(B, 3, H, P, W, P).transpose(0, 2, 4, 1, 3, 5) \
        .reshape(B, N, PATCH)
    att, gv = pl.pallas_call(
        _gsat_body,
        grid=(B // IPS,),
        in_specs=[
            pl.BlockSpec((IPS, N, PATCH), lambda i: (i, 0, 0)),
            const2d(),
            const2d(),
            const2d(),
            const2d(),
            const2d(),
            const2d(),
            const2d(),
            const2d(),
            const2d(),
            const2d(),
            const2d(),
            const2d(),
            const2d(),
            const2d(),
        ],
        out_specs=[
            pl.BlockSpec((IPS, N, K), lambda i: (i, 0, 0)),
            pl.BlockSpec((IPS, 1, C), lambda i: (i, 0, 0)),
        ],
        out_shape=[
            jax.ShapeDtypeStruct((B, N, K), f32),
            jax.ShapeDtypeStruct((B, 1, C), f32),
        ],
        compiler_params=pltpu.CompilerParams(
            dimension_semantics=("parallel",)),
    )(patches, pos, Ws, b_stem.reshape(1, C), W1a, W1b, b_e1.reshape(1, C),
      W_e2, b_e2.reshape(1, 1), W_msg, b_msg.reshape(1, C),
      W_f1, b_f1.reshape(1, 4 * C), W_f2, b_f2.reshape(1, C))

    pred = pl.pallas_call(
        _head_body,
        out_shape=jax.ShapeDtypeStruct((B, 1), f32),
    )(gv.reshape(B, C), W_p1, b_p1.reshape(1, 1024), gamma.reshape(1, 1024),
      beta.reshape(1, 1024), W_p2.reshape(1, 1024), b_p2.reshape(1, 1))

    return (att.reshape(B * N * K, 1), pred)

# --- scband reference (transcript-rebuilt; emitter-appended) ---
"""Pipeline reference for scband-gsatvi-g-44590350467893 (READ-ONLY COPY).

The authoritative reference and input builder live on the scoring server;
editing this copy changes nothing except your own understanding.
"""

import jax, jax.numpy as jnp
import numpy as np

B = 64
C = 192
P = 16
IMG = 224
H = IMG // P
W = IMG // P
N = H * W
K = 5
NUM_CLASSES = 1


def setup_inputs(seed: int = 0) -> dict:
    key = jax.random.key(seed)
    ks = jax.random.split(key, 12)
    x = jax.random.normal(ks[0], (B, 3, IMG, IMG), dtype=jnp.float32)
    W_stem = jax.random.normal(ks[1], (C, 3, P, P), dtype=jnp.float32) * 0.02
    b_stem = jnp.zeros((C,), jnp.float32)
    pos_embed = jnp.zeros((1, C, H, W), jnp.float32)
    W_e1 = jax.random.normal(ks[2], (2 * C, C), dtype=jnp.float32) * 0.05
    b_e1 = jnp.zeros((C,), jnp.float32)
    W_e2 = jax.random.normal(ks[3], (C, 1), dtype=jnp.float32) * 0.05
    b_e2 = jnp.zeros((1,), jnp.float32)
    W_msg = jax.random.normal(ks[4], (C, C), dtype=jnp.float32) * 0.05
    b_msg = jnp.zeros((C,), jnp.float32)
    W_f1 = jax.random.normal(ks[5], (C, 4 * C), dtype=jnp.float32) * 0.05
    b_f1 = jnp.zeros((4 * C,), jnp.float32)
    W_f2 = jax.random.normal(ks[6], (4 * C, C), dtype=jnp.float32) * 0.05
    b_f2 = jnp.zeros((C,), jnp.float32)
    W_p1 = jax.random.normal(ks[7], (C, 1024), dtype=jnp.float32) * 0.05
    b_p1 = jnp.zeros((1024,), jnp.float32)
    gamma = jnp.ones((1024,), jnp.float32)
    beta = jnp.zeros((1024,), jnp.float32)
    W_p2 = jax.random.normal(ks[8], (1024, NUM_CLASSES), dtype=jnp.float32) * 0.05
    b_p2 = jnp.zeros((NUM_CLASSES,), jnp.float32)
    return {"x": x, "W_stem": W_stem, "b_stem": b_stem, "pos_embed": pos_embed,
            "W_e1": W_e1, "b_e1": b_e1, "W_e2": W_e2, "b_e2": b_e2,
            "W_msg": W_msg, "b_msg": b_msg, "W_f1": W_f1, "b_f1": b_f1,
            "W_f2": W_f2, "b_f2": b_f2, "W_p1": W_p1, "b_p1": b_p1,
            "gamma": gamma, "beta": beta, "W_p2": W_p2, "b_p2": b_p2}


def reference(x, W_stem, b_stem, pos_embed, W_e1, b_e1, W_e2, b_e2, W_msg, b_msg,
              W_f1, b_f1, W_f2, b_f2, W_p1, b_p1, gamma, beta, W_p2, b_p2):
    # stem: patchify conv stride 16 (stem_model) + pos_embed
    feat = jax.lax.conv_general_dilated(x, W_stem, (P, P), 'VALID',
                                        dimension_numbers=('NCHW', 'OIHW', 'NCHW'))
    feat = feat + b_stem[None, :, None, None] + pos_embed
    nodes = jnp.transpose(feat, (0, 2, 3, 1)).reshape(B, N, C)
    # extract_graph: knn_graph(k=5) under no_grad -> stop_gradient on features used for knn
    nf = jax.lax.stop_gradient(nodes)
    sq = jnp.sum(nf * nf, axis=-1)
    d = sq[:, :, None] + sq[:, None, :] - 2.0 * jnp.einsum('bnc,bmc->bnm', nf, nf)
    d = d + jnp.eye(N, dtype=d.dtype)[None, :, :] * 1e10
    _, nbr = jax.lax.top_k(-d, K)  # [B, N, K] neighbor (source) indices per dst node
    src = (nbr + (jnp.arange(B) * N)[:, None, None]).reshape(-1)
    dst = jnp.repeat(jnp.arange(B * N), K)
    flat = nodes.reshape(B * N, C)
    # GSAT gnn_model: edge attention + attention-weighted message passing
    h_src = jnp.take(flat, src, axis=0)
    h_dst = jnp.take(flat, dst, axis=0)
    e_h = jax.nn.relu(jnp.concatenate([h_src, h_dst], axis=-1) @ W_e1 + b_e1)
    edge_att = jax.nn.sigmoid(e_h @ W_e2 + b_e2)  # [E, 1]
    msg = h_src * edge_att
    agg = jax.ops.segment_sum(msg, dst, num_segments=B * N)
    node_emb = jax.nn.relu((flat + agg) @ W_msg + b_msg)
    # reshape back to (B, H, W, C) grid and FFN (fc2) with residual
    nm = node_emb.reshape(B, H, W, C)
    ff = jax.nn.gelu(nm @ W_f1 + b_f1) @ W_f2 + b_f2
    nm = nm + ff
    # adaptive avg pool to 1x1
    g = jnp.mean(nm, axis=(1, 2))  # [B, C]
    # prediction head: 1x1 conv -> BN (eval, running stats identity) -> gelu -> 1x1 conv
    p = jax.nn.gelu((g @ W_p1 + b_p1) * gamma + beta)
    pred = p @ W_p2 + b_p2  # [B, num_classes]
    return (edge_att, pred)

if __name__ == "__main__":
    import jax
    _d = setup_inputs()
    print(jax.jit(kernel)(*tuple(_d.values())))

</pallas_src>

<mosaic_0001>
module attributes {stable_mosaic.version = 14 : i64} {
  func.func @_gsat_body(%arg0: i32, %arg1: memref<4x196x768xf32, #tpu.memory_space<vmem>>, %arg2: memref<196x192xf32, #tpu.memory_space<vmem>>, %arg3: memref<768x192xf32, #tpu.memory_space<vmem>>, %arg4: memref<1x192xf32, #tpu.memory_space<vmem>>, %arg5: memref<192x192xf32, #tpu.memory_space<vmem>>, %arg6: memref<192x192xf32, #tpu.memory_space<vmem>>, %arg7: memref<1x192xf32, #tpu.memory_space<vmem>>, %arg8: memref<192x1xf32, #tpu.memory_space<vmem>>, %arg9: memref<1x1xf32, #tpu.memory_space<vmem>>, %arg10: memref<192x192xf32, #tpu.memory_space<vmem>>, %arg11: memref<1x192xf32, #tpu.memory_space<vmem>>, %arg12: memref<192x768xf32, #tpu.memory_space<vmem>>, %arg13: memref<1x768xf32, #tpu.memory_space<vmem>>, %arg14: memref<768x192xf32, #tpu.memory_space<vmem>>, %arg15: memref<1x192xf32, #tpu.memory_space<vmem>>, %arg16: memref<4x196x5xf32, #tpu.memory_space<vmem>>, %arg17: memref<4x1x192xf32, #tpu.memory_space<vmem>>) attributes {dimension_semantics = [#tpu.dimension_semantics<parallel>], iteration_bounds = array<i64: 16>, scalar_prefetch = 0 : i64, scratch_operands = 0 : i64, tpu.core_type = #tpu.core_type<tc>, window_params = [{transform_indices = @transform_0, window_bounds = array<i64: 4, 196, 768>}, {pipeline_mode = #tpu.pipeline_mode<synchronous>, transform_indices = @transform_1, window_bounds = array<i64: 196, 192>}, {pipeline_mode = #tpu.pipeline_mode<synchronous>, transform_indices = @transform_2, window_bounds = array<i64: 768, 192>}, {pipeline_mode = #tpu.pipeline_mode<synchronous>, transform_indices = @transform_3, window_bounds = array<i64: 1, 192>}, {pipeline_mode = #tpu.pipeline_mode<synchronous>, transform_indices = @transform_4, window_bounds = array<i64: 192, 192>}, {pipeline_mode = #tpu.pipeline_mode<synchronous>, transform_indices = @transform_5, window_bounds = array<i64: 192, 192>}, {pipeline_mode = #tpu.pipeline_mode<synchronous>, transform_indices = @transform_6, window_bounds = array<i64: 1, 192>}, {pipeline_mode = #tpu.pipeline_mode<synchronous>, transform_indices = @transform_7, window_bounds = array<i64: 192, 1>}, {pipeline_mode = #tpu.pipeline_mode<synchronous>, transform_indices = @transform_8, window_bounds = array<i64: 1, 1>}, {pipeline_mode = #tpu.pipeline_mode<synchronous>, transform_indices = @transform_9, window_bounds = array<i64: 192, 192>}, {pipeline_mode = #tpu.pipeline_mode<synchronous>, transform_indices = @transform_10, window_bounds = array<i64: 1, 192>}, {pipeline_mode = #tpu.pipeline_mode<synchronous>, transform_indices = @transform_11, window_bounds = array<i64: 192, 768>}, {pipeline_mode = #tpu.pipeline_mode<synchronous>, transform_indices = @transform_12, window_bounds = array<i64: 1, 768>}, {pipeline_mode = #tpu.pipeline_mode<synchronous>, transform_indices = @transform_13, window_bounds = array<i64: 768, 192>}, {pipeline_mode = #tpu.pipeline_mode<synchronous>, transform_indices = @transform_14, window_bounds = array<i64: 1, 192>}, {transform_indices = @transform_15, window_bounds = array<i64: 4, 196, 5>}, {transform_indices = @transform_16, window_bounds = array<i64: 4, 1, 192>}]} {
    %iota3A = tpu.iota {dimensions = array<i32: 0>} : vector<196x196xi32>
    %iota3A_0 = tpu.iota {dimensions = array<i32: 1>} : vector<196x196xi32>
    %get3A = arith.constant 0 : index
    %get3A_1 = arith.constant 0 : index
    %get3A_2 = arith.constant 0 : index
    %get3A_3 = vector.load %arg1[%get3A, %get3A_1, %get3A_2] : memref<4x196x768xf32, #tpu.memory_space<vmem>>, vector<1x196x768xf32>
    %get3A_4 = vector.shape_cast %get3A_3 : vector<1x196x768xf32> to vector<196x768xf32>
    %get3A_5 = arith.constant 0 : index
    %get3A_6 = arith.constant 0 : index
    %get3A_7 = vector.load %arg3[%get3A_5, %get3A_6] : memref<768x192xf32, #tpu.memory_space<vmem>>, vector<768x192xf32>
    %dot_general3A = arith.constant dense<0.000000e+00> : vector<196x192xf32>
    %dot_general3A_8 = tpu.matmul %get3A_4, %get3A_7, %dot_general3A {dimension_numbers = #tpu.dot_dimension_numbers<[1], [0], [0], [1], [0, 0, 1, 1], [], []>, transpose_lhs_hint = false} : vector<196x768xf32>, vector<768x192xf32>, vector<196x192xf32> -> vector<196x192xf32>
    %get3A_9 = arith.constant 0 : index
    %get3A_10 = arith.constant 0 : index
    %get3A_11 = vector.load %arg4[%get3A_9, %get3A_10] : memref<1x192xf32, #tpu.memory_space<vmem>>, vector<1x192xf32>
    %add3A = vector.broadcast %get3A_11 : vector<1x192xf32> to vector<196x192xf32>
    %add3A_12 = arith.addf %dot_general3A_8, %add3A : vector<196x192xf32>
    %get3A_13 = arith.constant 0 : index
    %get3A_14 = arith.constant 0 : index
    %get3A_15 = vector.load %arg2[%get3A_13, %get3A_14] : memref<196x192xf32, #tpu.memory_space<vmem>>, vector<196x192xf32>
    %add3A_16 = arith.addf %add3A_12, %get3A_15 : vector<196x192xf32>
    %get3A_17 = arith.constant 0 : index
    %get3A_18 = arith.constant 0 : index
    %get3A_19 = vector.load %arg5[%get3A_17, %get3A_18] : memref<192x192xf32, #tpu.memory_space<vmem>>, vector<192x192xf32>
    %dot_general3A_20 = arith.constant dense<0.000000e+00> : vector<196x192xf32>
    %dot_general3A_21 = tpu.matmul %add3A_16, %get3A_19, %dot_general3A_20 {dimension_numbers = #tpu.dot_dimension_numbers<[1], [0], [0], [1], [0, 0, 1, 1], [], []>, transpose_lhs_hint = false} : vector<196x192xf32>, vector<192x192xf32>, vector<196x192xf32> -> vector<196x192xf32>
    %get3A_22 = arith.constant 0 : index
    %get3A_23 = arith.constant 0 : index
    %get3A_24 = vector.load %arg6[%get3A_22, %get3A_23] : memref<192x192xf32, #tpu.memory_space<vmem>>, vector<192x192xf32>
    %dot_general3A_25 = arith.constant dense<0.000000e+00> : vector<196x192xf32>
    %dot_general3A_26 = tpu.matmul %add3A_16, %get3A_24, %dot_general3A_25 {dimension_numbers = #tpu.dot_dimension_numbers<[1], [0], [0], [1], [0, 0, 1, 1], [], []>, transpose_lhs_hint = false} : vector<196x192xf32>, vector<192x192xf32>, vector<196x192xf32> -> vector<196x192xf32>
    %get3A_27 = arith.constant 0 : index
    %get3A_28 = arith.constant 0 : index
    %get3A_29 = vector.load %arg7[%get3A_27, %get3A_28] : memref<1x192xf32, #tpu.memory_space<vmem>>, vector<1x192xf32>
    %add3A_30 = vector.broadcast %get3A_29 : vector<1x192xf32> to vector<196x192xf32>
    %add3A_31 = arith.addf %dot_general3A_26, %add3A_30 : vector<196x192xf32>
    %dot_general3A_32 = arith.constant dense<0.000000e+00> : vector<196x196xf32>
    %dot_general3A_33 = tpu.matmul %add3A_16, %add3A_16, %dot_general3A_32 {dimension_numbers = #tpu.dot_dimension_numbers<[1], [1], [0], [0], [0, 0, 1, 0], [], []>, transpose_lhs_hint = false} : vector<196x192xf32>, vector<196x192xf32>, vector<196x196xf32> -> vector<196x196xf32>
    %mul3A = arith.mulf %add3A_16, %add3A_16 : vector<196x192xf32>
    %broadcast_in_dim3A = arith.constant 1.000000e+00 : f32
    %broadcast_in_dim3A_34 = vector.broadcast %broadcast_in_dim3A : f32 to vector<1x192xf32>
    %dot_general3A_35 = arith.constant dense<0.000000e+00> : vector<1x196xf32>
    %dot_general3A_36 = tpu.matmul %broadcast_in_dim3A_34, %mul3A, %dot_general3A_35 {dimension_numbers = #tpu.dot_dimension_numbers<[1], [1], [0], [0], [0, 0, 1, 0], [], []>, precision = #tpu.contract_precision<fp32>, transpose_lhs_hint = false} : vector<1x192xf32>, vector<196x192xf32>, vector<1x196xf32> -> vector<1x196xf32>
    %mul3A_37 = arith.constant 2.000000e+00 : f32
    %mul3A_38 = vector.broadcast %mul3A_37 : f32 to vector<196x196xf32>
    %mul3A_39 = arith.mulf %mul3A_38, %dot_general3A_33 : vector<196x196xf32>
    %sub3A = vector.broadcast %dot_general3A_36 : vector<1x196xf32> to vector<196x196xf32>
    %sub3A_40 = arith.subf %sub3A, %mul3A_39 : vector<196x196xf32>
    %eq3A = arith.cmpi eq, %iota3A, %iota3A_0 : vector<196x196xi32>
    %jit3A = arith.constant 1.000000e+10 : f32
    %broadcast_in_dim3A_41 = vector.broadcast %jit3A : f32 to vector<196x196xf32>
    %select_n3A = arith.select %eq3A, %broadcast_in_dim3A_41, %sub3A_40 : vector<196x196xi1>, vector<196x196xf32>
    %broadcast_in_dim3A_42 = arith.constant 0.000000e+00 : f32
    %broadcast_in_dim3A_43 = vector.broadcast %broadcast_in_dim3A_42 : f32 to vector<196x192xf32>
    %reduce_min3A = arith.constant dense<0x7F800000> : vector<196xf32>
    %reduce_min3A_44 = vector.multi_reduction <minimumf>, %select_n3A, %reduce_min3A [1] : vector<196x196xf32> to vector<196xf32>
    %broadcast_in_dim3A_45 = vector.shape_cast %reduce_min3A_44 : vector<196xf32> to vector<196x1xf32>
    %eq3A_46 = vector.broadcast %broadcast_in_dim3A_45 : vector<196x1xf32> to vector<196x196xf32>
    %eq3A_47 = arith.cmpf oeq, %select_n3A, %eq3A_46 : vector<196x196xf32>
    %jit3A_48 = arith.constant 196 : i32
    %broadcast_in_dim3A_49 = vector.broadcast %jit3A_48 : i32 to vector<196x196xi32>
    %select_n3A_50 = arith.select %eq3A_47, %iota3A_0, %broadcast_in_dim3A_49 : vector<196x196xi1>, vector<196x196xi32>
    %reduce_min3A_51 = arith.constant dense<2147483647> : vector<196xi32>
    %reduce_min3A_52 = vector.multi_reduction <minsi>, %select_n3A_50, %reduce_min3A_51 [1] : vector<196x196xi32> to vector<196xi32>
    %broadcast_in_dim3A_53 = vector.shape_cast %reduce_min3A_52 : vector<196xi32> to vector<196x1xi32>
    %eq3A_54 = vector.broadcast %broadcast_in_dim3A_53 : vector<196x1xi32> to vector<196x196xi32>
    %eq3A_55 = arith.cmpi eq, %iota3A_0, %eq3A_54 : vector<196x196xi32>
    %jit3A_56 = arith.constant 1.000000e+00 : f32
    %jit3A_57 = arith.constant 0.000000e+00 : f32
    %broadcast_in_dim3A_58 = vector.broadcast %jit3A_56 : f32 to vector<196x196xf32>
    %broadcast_in_dim3A_59 = vector.broadcast %jit3A_57 : f32 to vector<196x196xf32>
    %select_n3A_60 = arith.select %eq3A_55, %broadcast_in_dim3A_58, %broadcast_in_dim3A_59 : vector<196x196xi1>, vector<196x196xf32>
    %jit3A_61 = arith.constant 1.000000e+30 : f32
    %broadcast_in_dim3A_62 = vector.broadcast %jit3A_61 : f32 to vector<196x196xf32>
    %select_n3A_63 = arith.select %eq3A_55, %broadcast_in_dim3A_62, %select_n3A : vector<196x196xi1>, vector<196x196xf32>
    %dot_general3A_64 = arith.constant dense<0.000000e+00> : vector<196x192xf32>
    %dot_general3A_65 = tpu.matmul %select_n3A_60, %dot_general3A_21, %dot_general3A_64 {dimension_numbers = #tpu.dot_dimension_numbers<[1], [0], [0], [1], [0, 0, 1, 1], [], []>, transpose_lhs_hint = false} : vector<196x196xf32>, vector<196x192xf32>, vector<196x192xf32> -> vector<196x192xf32>
    %dot_general3A_66 = arith.constant dense<0.000000e+00> : vector<196x192xf32>
    %dot_general3A_67 = tpu.matmul %select_n3A_60, %add3A_16, %dot_general3A_66 {dimension_numbers = #tpu.dot_dimension_numbers<[1], [0], [0], [1], [0, 0, 1, 1], [], []>, transpose_lhs_hint = false} : vector<196x196xf32>, vector<196x192xf32>, vector<196x192xf32> -> vector<196x192xf32>
    %add3A_68 = arith.addf %dot_general3A_65, %add3A_31 : vector<196x192xf32>
    %max3A = arith.constant 0.000000e+00 : f32
    %max3A_69 = vector.broadcast %max3A : f32 to vector<196x192xf32>
    %max3A_70 = arith.maximumf %add3A_68, %max3A_69 : vector<196x192xf32>
    %get3A_71 = arith.constant 0 : index
    %get3A_72 = arith.constant 0 : index
    %get3A_73 = vector.load %arg8[%get3A_71, %get3A_72] : memref<192x1xf32, #tpu.memory_space<vmem>>, vector<192x1xf32>
    %dot_general3A_74 = arith.constant dense<0.000000e+00> : vector<196x1xf32>
    %dot_general3A_75 = tpu.matmul %max3A_70, %get3A_73, %dot_general3A_74 {dimension_numbers = #tpu.dot_dimension_numbers<[1], [0], [0], [1], [0, 0, 1, 1], [], []>, transpose_lhs_hint = false} : vector<196x192xf32>, vector<192x1xf32>, vector<196x1xf32> -> vector<196x1xf32>
    %reduce_min3A_76 = arith.constant dense<0x7F800000> : vector<196xf32>
    %reduce_min3A_77 = vector.multi_reduction <minimumf>, %select_n3A_63, %reduce_min3A_76 [1] : vector<196x196xf32> to vector<196xf32>
    %broadcast_in_dim3A_78 = vector.shape_cast %reduce_min3A_77 : vector<196xf32> to vector<196x1xf32>
    %eq3A_79 = vector.broadcast %broadcast_in_dim3A_78 : vector<196x1xf32> to vector<196x196xf32>
    %eq3A_80 = arith.cmpf oeq, %select_n3A_63, %eq3A_79 : vector<196x196xf32>
    %jit3A_81 = arith.constant 196 : i32
    %broadcast_in_dim3A_82 = vector.broadcast %jit3A_81 : i32 to vector<196x196xi32>
    %select_n3A_83 = arith.select %eq3A_80, %iota3A_0, %broadcast_in_dim3A_82 : vector<196x196xi1>, vector<196x196xi32>
    %reduce_min3A_84 = arith.constant dense<2147483647> : vector<196xi32>
    %reduce_min3A_85 = vector.multi_reduction <minsi>, %select_n3A_83, %reduce_min3A_84 [1] : vector<196x196xi32> to vector<196xi32>
    %broadcast_in_dim3A_86 = vector.shape_cast %reduce_min3A_85 : vector<196xi32> to vector<196x1xi32>
    %eq3A_87 = vector.broadcast %broadcast_in_dim3A_86 : vector<196x1xi32> to vector<196x196xi32>
    %eq3A_88 = arith.cmpi eq, %iota3A_0, %eq3A_87 : vector<196x196xi32>
    %jit3A_89 = arith.constant 1.000000e+00 : f32
    %jit3A_90 = arith.constant 0.000000e+00 : f32
    %broadcast_in_dim3A_91 = vector.broadcast %jit3A_89 : f32 to vector<196x196xf32>
    %broadcast_in_dim3A_92 = vector.broadcast %jit3A_90 : f32 to vector<196x196xf32>
    %select_n3A_93 = arith.select %eq3A_88, %broadcast_in_dim3A_91, %broadcast_in_dim3A_92 : vector<196x196xi1>, vector<196x196xf32>
    %jit3A_94 = arith.constant 1.000000e+30 : f32
    %broadcast_in_dim3A_95 = vector.broadcast %jit3A_94 : f32 to vector<196x196xf32>
    %select_n3A_96 = arith.select %eq3A_88, %broadcast_in_dim3A_95, %select_n3A_63 : vector<196x196xi1>, vector<196x196xf32>
    %dot_general3A_97 = arith.constant dense<0.000000e+00> : vector<196x192xf32>
    %dot_general3A_98 = tpu.matmul %select_n3A_93, %dot_general3A_21, %dot_general3A_97 {dimension_numbers = #tpu.dot_dimension_numbers<[1], [0], [0], [1], [0, 0, 1, 1], [], []>, transpose_lhs_hint = false} : vector<196x196xf32>, vector<196x192xf32>, vector<196x192xf32> -> vector<196x192xf32>
    %dot_general3A_99 = arith.constant dense<0.000000e+00> : vector<196x192xf32>
    %dot_general3A_100 = tpu.matmul %select_n3A_93, %add3A_16, %dot_general3A_99 {dimension_numbers = #tpu.dot_dimension_numbers<[1], [0], [0], [1], [0, 0, 1, 1], [], []>, transpose_lhs_hint = false} : vector<196x196xf32>, vector<196x192xf32>, vector<196x192xf32> -> vector<196x192xf32>
    %add3A_101 = arith.addf %dot_general3A_98, %add3A_31 : vector<196x192xf32>
    %max3A_102 = arith.constant 0.000000e+00 : f32
    %max3A_103 = vector.broadcast %max3A_102 : f32 to vector<196x192xf32>
    %max3A_104 = arith.maximumf %add3A_101, %max3A_103 : vector<196x192xf32>
    %get3A_105 = arith.constant 0 : index
    %get3A_106 = arith.constant 0 : index
    %get3A_107 = vector.load %arg8[%get3A_105, %get3A_106] : memref<192x1xf32, #tpu.memory_space<vmem>>, vector<192x1xf32>
    %dot_general3A_108 = arith.constant dense<0.000000e+00> : vector<196x1xf32>
    %dot_general3A_109 = tpu.matmul %max3A_104, %get3A_107, %dot_general3A_108 {dimension_numbers = #tpu.dot_dimension_numbers<[1], [0], [0], [1], [0, 0, 1, 1], [], []>, transpose_lhs_hint = false} : vector<196x192xf32>, vector<192x1xf32>, vector<196x1xf32> -> vector<196x1xf32>
    %reduce_min3A_110 = arith.constant dense<0x7F800000> : vector<196xf32>
    %reduce_min3A_111 = vector.multi_reduction <minimumf>, %select_n3A_96, %reduce_min3A_110 [1] : vector<196x196xf32> to vector<196xf32>
    %broadcast_in_dim3A_112 = vector.shape_cast %reduce_min3A_111 : vector<196xf32> to vector<196x1xf32>
    %eq3A_113 = vector.broadcast %broadcast_in_dim3A_112 : vector<196x1xf32> to vector<196x196xf32>
    %eq3A_114 = arith.cmpf oeq, %select_n3A_96, %eq3A_113 : vector<196x196xf32>
    %jit3A_115 = arith.constant 196 : i32
    %broadcast_in_dim3A_116 = vector.broadcast %jit3A_115 : i32 to vector<196x196xi32>
    %select_n3A_117 = arith.select %eq3A_114, %iota3A_0, %broadcast_in_dim3A_116 : vector<196x196xi1>, vector<196x196xi32>
    %reduce_min3A_118 = arith.constant dense<2147483647> : vector<196xi32>
    %reduce_min3A_119 = vector.multi_reduction <minsi>, %select_n3A_117, %reduce_min3A_118 [1] : vector<196x196xi32> to vector<196xi32>
    %broadcast_in_dim3A_120 = vector.shape_cast %reduce_min3A_119 : vector<196xi32> to vector<196x1xi32>
    %eq3A_121 = vector.broadcast %broadcast_in_dim3A_120 : vector<196x1xi32> to vector<196x196xi32>
    %eq3A_122 = arith.cmpi eq, %iota3A_0, %eq3A_121 : vector<196x196xi32>
    %jit3A_123 = arith.constant 1.000000e+00 : f32
    %jit3A_124 = arith.constant 0.000000e+00 : f32
    %broadcast_in_dim3A_125 = vector.broadcast %jit3A_123 : f32 to vector<196x196xf32>
    %broadcast_in_dim3A_126 = vector.broadcast %jit3A_124 : f32 to vector<196x196xf32>
    %select_n3A_127 = arith.select %eq3A_122, %broadcast_in_dim3A_125, %broadcast_in_dim3A_126 : vector<196x196xi1>, vector<196x196xf32>
    %jit3A_128 = arith.constant 1.000000e+30 : f32
    %broadcast_in_dim3A_129 = vector.broadcast %jit3A_128 : f32 to vector<196x196xf32>
    %select_n3A_130 = arith.select %eq3A_122, %broadcast_in_dim3A_129, %select_n3A_96 : vector<196x196xi1>, vector<196x196xf32>
    %dot_general3A_131 = arith.constant dense<0.000000e+00> : vector<196x192xf32>
    %dot_general3A_132 = tpu.matmul %select_n3A_127, %dot_general3A_21, %dot_general3A_131 {dimension_numbers = #tpu.dot_dimension_numbers<[1], [0], [0], [1], [0, 0, 1, 1], [], []>, transpose_lhs_hint = false} : vector<196x196xf32>, vector<196x192xf32>, vector<196x192xf32> -> vector<196x192xf32>
    %dot_general3A_133 = arith.constant dense<0.000000e+00> : vector<196x192xf32>
    %dot_general3A_134 = tpu.matmul %select_n3A_127, %add3A_16, %dot_general3A_133 {dimension_numbers = #tpu.dot_dimension_numbers<[1], [0], [0], [1], [0, 0, 1, 1], [], []>, transpose_lhs_hint = false} : vector<196x196xf32>, vector<196x192xf32>, vector<196x192xf32> -> vector<196x192xf32>
    %add3A_135 = arith.addf %dot_general3A_132, %add3A_31 : vector<196x192xf32>
    %max3A_136 = arith.constant 0.000000e+00 : f32
    %max3A_137 = vector.broadcast %max3A_136 : f32 to vector<196x192xf32>
    %max3A_138 = arith.maximumf %add3A_135, %max3A_137 : vector<196x192xf32>
    %get3A_139 = arith.constant 0 : index
    %get3A_140 = arith.constant 0 : index
    %get3A_141 = vector.load %arg8[%get3A_139, %get3A_140] : memref<192x1xf32, #tpu.memory_space<vmem>>, vector<192x1xf32>
    %dot_general3A_142 = arith.constant dense<0.000000e+00> : vector<196x1xf32>
    %dot_general3A_143 = tpu.matmul %max3A_138, %get3A_141, %dot_general3A_142 {dimension_numbers = #tpu.dot_dimension_numbers<[1], [0], [0], [1], [0, 0, 1, 1], [], []>, transpose_lhs_hint = false} : vector<196x192xf32>, vector<192x1xf32>, vector<196x1xf32> -> vector<196x1xf32>
    %reduce_min3A_144 = arith.constant dense<0x7F800000> : vector<196xf32>
    %reduce_min3A_145 = vector.multi_reduction <minimumf>, %select_n3A_130, %reduce_min3A_144 [1] : vector<196x196xf32> to vector<196xf32>
    %broadcast_in_dim3A_146 = vector.shape_cast %reduce_min3A_145 : vector<196xf32> to vector<196x1xf32>
    %eq3A_147 = vector.broadcast %broadcast_in_dim3A_146 : vector<196x1xf32> to vector<196x196xf32>
    %eq3A_148 = arith.cmpf oeq, %select_n3A_130, %eq3A_147 : vector<196x196xf32>
    %jit3A_149 = arith.constant 196 : i32
    %broadcast_in_dim3A_150 = vector.broadcast %jit3A_149 : i32 to vector<196x196xi32>
    %select_n3A_151 = arith.select %eq3A_148, %iota3A_0, %broadcast_in_dim3A_150 : vector<196x196xi1>, vector<196x196xi32>
    %reduce_min3A_152 = arith.constant dense<2147483647> : vector<196xi32>
    %reduce_min3A_153 = vector.multi_reduction <minsi>, %select_n3A_151, %reduce_min3A_152 [1] : vector<196x196xi32> to vector<196xi32>
    %broadcast_in_dim3A_154 = vector.shape_cast %reduce_min3A_153 : vector<196xi32> to vector<196x1xi32>
    %eq3A_155 = vector.broadcast %broadcast_in_dim3A_154 : vector<196x1xi32> to vector<196x196xi32>
    %eq3A_156 = arith.cmpi eq, %iota3A_0, %eq3A_155 : vector<196x196xi32>
    %jit3A_157 = arith.constant 1.000000e+00 : f32
    %jit3A_158 = arith.constant 0.000000e+00 : f32
    %broadcast_in_dim3A_159 = vector.broadcast %jit3A_157 : f32 to vector<196x196xf32>
    %broadcast_in_dim3A_160 = vector.broadcast %jit3A_158 : f32 to vector<196x196xf32>
    %select_n3A_161 = arith.select %eq3A_156, %broadcast_in_dim3A_159, %broadcast_in_dim3A_160 : vector<196x196xi1>, vector<196x196xf32>
    %jit3A_162 = arith.constant 1.000000e+30 : f32
    %broadcast_in_dim3A_163 = vector.broadcast %jit3A_162 : f32 to vector<196x196xf32>
    %select_n3A_164 = arith.select %eq3A_156, %broadcast_in_dim3A_163, %select_n3A_130 : vector<196x196xi1>, vector<196x196xf32>
    %dot_general3A_165 = arith.constant dense<0.000000e+00> : vector<196x192xf32>
    %dot_general3A_166 = tpu.matmul %select_n3A_161, %dot_general3A_21, %dot_general3A_165 {dimension_numbers = #tpu.dot_dimension_numbers<[1], [0], [0], [1], [0, 0, 1, 1], [], []>, transpose_lhs_hint = false} : vector<196x196xf32>, vector<196x192xf32>, vector<196x192xf32> -> vector<196x192xf32>
    %dot_general3A_167 = arith.constant dense<0.000000e+00> : vector<196x192xf32>
    %dot_general3A_168 = tpu.matmul %select_n3A_161, %add3A_16, %dot_general3A_167 {dimension_numbers = #tpu.dot_dimension_numbers<[1], [0], [0], [1], [0, 0, 1, 1], [], []>, transpose_lhs_hint = false} : vector<196x196xf32>, vector<196x192xf32>, vector<196x192xf32> -> vector<196x192xf32>
    %add3A_169 = arith.addf %dot_general3A_166, %add3A_31 : vector<196x192xf32>
    %max3A_170 = arith.constant 0.000000e+00 : f32
    %max3A_171 = vector.broadcast %max3A_170 : f32 to vector<196x192xf32>
    %max3A_172 = arith.maximumf %add3A_169, %max3A_171 : vector<196x192xf32>
    %get3A_173 = arith.constant 0 : index
    %get3A_174 = arith.constant 0 : index
    %get3A_175 = vector.load %arg8[%get3A_173, %get3A_174] : memref<192x1xf32, #tpu.memory_space<vmem>>, vector<192x1xf32>
    %dot_general3A_176 = arith.constant dense<0.000000e+00> : vector<196x1xf32>
    %dot_general3A_177 = tpu.matmul %max3A_172, %get3A_175, %dot_general3A_176 {dimension_numbers = #tpu.dot_dimension_numbers<[1], [0], [0], [1], [0, 0, 1, 1], [], []>, transpose_lhs_hint = false} : vector<196x192xf32>, vector<192x1xf32>, vector<196x1xf32> -> vector<196x1xf32>
    %reduce_min3A_178 = arith.constant dense<0x7F800000> : vector<196xf32>
    %reduce_min3A_179 = vector.multi_reduction <minimumf>, %select_n3A_164, %reduce_min3A_178 [1] : vector<196x196xf32> to vector<196xf32>
    %broadcast_in_dim3A_180 = vector.shape_cast %reduce_min3A_179 : vector<196xf32> to vector<196x1xf32>
    %eq3A_181 = vector.broadcast %broadcast_in_dim3A_180 : vector<196x1xf32> to vector<196x196xf32>
    %eq3A_182 = arith.cmpf oeq, %select_n3A_164, %eq3A_181 : vector<196x196xf32>
    %jit3A_183 = arith.constant 196 : i32
    %broadcast_in_dim3A_184 = vector.broadcast %jit3A_183 : i32 to vector<196x196xi32>
    %select_n3A_185 = arith.select %eq3A_182, %iota3A_0, %broadcast_in_dim3A_184 : vector<196x196xi1>, vector<196x196xi32>
    %reduce_min3A_186 = arith.constant dense<2147483647> : vector<196xi32>
    %reduce_min3A_187 = vector.multi_reduction <minsi>, %select_n3A_185, %reduce_min3A_186 [1] : vector<196x196xi32> to vector<196xi32>
    %broadcast_in_dim3A_188 = vector.shape_cast %reduce_min3A_187 : vector<196xi32> to vector<196x1xi32>
    %eq3A_189 = vector.broadcast %broadcast_in_dim3A_188 : vector<196x1xi32> to vector<196x196xi32>
    %eq3A_190 = arith.cmpi eq, %iota3A_0, %eq3A_189 : vector<196x196xi32>
    %jit3A_191 = arith.constant 1.000000e+00 : f32
    %jit3A_192 = arith.constant 0.000000e+00 : f32
    %broadcast_in_dim3A_193 = vector.broadcast %jit3A_191 : f32 to vector<196x196xf32>
    %broadcast_in_dim3A_194 = vector.broadcast %jit3A_192 : f32 to vector<196x196xf32>
    %select_n3A_195 = arith.select %eq3A_190, %broadcast_in_dim3A_193, %broadcast_in_dim3A_194 : vector<196x196xi1>, vector<196x196xf32>
    %dot_general3A_196 = arith.constant dense<0.000000e+00> : vector<196x192xf32>
    %dot_general3A_197 = tpu.matmul %select_n3A_195, %dot_general3A_21, %dot_general3A_196 {dimension_numbers = #tpu.dot_dimension_numbers<[1], [0], [0], [1], [0, 0, 1, 1], [], []>, transpose_lhs_hint = false} : vector<196x196xf32>, vector<196x192xf32>, vector<196x192xf32> -> vector<196x192xf32>
    %dot_general3A_198 = arith.constant dense<0.000000e+00> : vector<196x192xf32>
    %dot_general3A_199 = tpu.matmul %select_n3A_195, %add3A_16, %dot_general3A_198 {dimension_numbers = #tpu.dot_dimension_numbers<[1], [0], [0], [1], [0, 0, 1, 1], [], []>, transpose_lhs_hint = false} : vector<196x196xf32>, vector<196x192xf32>, vector<196x192xf32> -> vector<196x192xf32>
    %add3A_200 = arith.addf %dot_general3A_197, %add3A_31 : vector<196x192xf32>
    %max3A_201 = arith.constant 0.000000e+00 : f32
    %max3A_202 = vector.broadcast %max3A_201 : f32 to vector<196x192xf32>
    %max3A_203 = arith.maximumf %add3A_200, %max3A_202 : vector<196x192xf32>
    %get3A_204 = arith.constant 0 : index
    %get3A_205 = arith.constant 0 : index
    %get3A_206 = vector.load %arg8[%get3A_204, %get3A_205] : memref<192x1xf32, #tpu.memory_space<vmem>>, vector<192x1xf32>
    %dot_general3A_207 = arith.constant dense<0.000000e+00> : vector<196x1xf32>
    %dot_general3A_208 = tpu.matmul %max3A_203, %get3A_206, %dot_general3A_207 {dimension_numbers = #tpu.dot_dimension_numbers<[1], [0], [0], [1], [0, 0, 1, 1], [], []>, transpose_lhs_hint = false} : vector<196x192xf32>, vector<192x1xf32>, vector<196x1xf32> -> vector<196x1xf32>
    %concatenate3A = tpu.concatenate %dot_general3A_75, %dot_general3A_109, %dot_general3A_143, %dot_general3A_177, %dot_general3A_208 in 1 : vector<196x1xf32>, vector<196x1xf32>, vector<196x1xf32>, vector<196x1xf32>, vector<196x1xf32> -> vector<196x5xf32>
    %get3A_209 = arith.constant 0 : index
    %get3A_210 = arith.constant 0 : index
    %get3A_211 = vector.load %arg9[%get3A_209, %get3A_210] : memref<1x1xf32, #tpu.memory_space<vmem>>, vector<1x1xf32>
    %add3A_212 = vector.broadcast %get3A_211 : vector<1x1xf32> to vector<196x5xf32>
    %add3A_213 = arith.addf %concatenate3A, %add3A_212 : vector<196x5xf32>
    %neg3A = arith.constant 0.000000e+00 : f32
    %neg3A_214 = vector.broadcast %neg3A : f32 to vector<196x5xf32>
    %neg3A_215 = arith.subf %neg3A_214, %add3A_213 : vector<196x5xf32>
    %exp3A = math.exp %neg3A_215 : vector<196x5xf32>
    %add3A_216 = arith.constant 1.000000e+00 : f32
    %add3A_217 = vector.broadcast %add3A_216 : f32 to vector<196x5xf32>
    %add3A_218 = arith.addf %add3A_217, %exp3A : vector<196x5xf32>
    %div3A = arith.constant 1.000000e+00 : f32
    %div3A_219 = vector.broadcast %div3A : f32 to vector<196x5xf32>
    %div3A_220 = arith.divf %div3A_219, %add3A_218 : vector<196x5xf32>
    %slice3A = vector.extract_strided_slice %div3A_220 {offsets = [0, 0], sizes = [196, 1], strides = [1, 1]} : vector<196x5xf32> to vector<196x1xf32>
    %mul3A_221 = vector.broadcast %slice3A : vector<196x1xf32> to vector<196x192xf32>
    %mul3A_222 = arith.mulf %mul3A_221, %dot_general3A_67 : vector<196x192xf32>
    %add3A_223 = arith.addf %broadcast_in_dim3A_43, %mul3A_222 : vector<196x192xf32>
    %slice3A_224 = vector.extract_strided_slice %div3A_220 {offsets = [0, 1], sizes = [196, 1], strides = [1, 1]} : vector<196x5xf32> to vector<196x1xf32>
    %mul3A_225 = vector.broadcast %slice3A_224 : vector<196x1xf32> to vector<196x192xf32>
    %mul3A_226 = arith.mulf %mul3A_225, %dot_general3A_100 : vector<196x192xf32>
    %add3A_227 = arith.addf %add3A_223, %mul3A_226 : vector<196x192xf32>
    %slice3A_228 = vector.extract_strided_slice %div3A_220 {offsets = [0, 2], sizes = [196, 1], strides = [1, 1]} : vector<196x5xf32> to vector<196x1xf32>
    %mul3A_229 = vector.broadcast %slice3A_228 : vector<196x1xf32> to vector<196x192xf32>
    %mul3A_230 = arith.mulf %mul3A_229, %dot_general3A_134 : vector<196x192xf32>
    %add3A_231 = arith.addf %add3A_227, %mul3A_230 : vector<196x192xf32>
    %slice3A_232 = vector.extract_strided_slice %div3A_220 {offsets = [0, 3], sizes = [196, 1], strides = [1, 1]} : vector<196x5xf32> to vector<196x1xf32>
    %mul3A_233 = vector.broadcast %slice3A_232 : vector<196x1xf32> to vector<196x192xf32>
    %mul3A_234 = arith.mulf %mul3A_233, %dot_general3A_168 : vector<196x192xf32>
    %add3A_235 = arith.addf %add3A_231, %mul3A_234 : vector<196x192xf32>
    %slice3A_236 = vector.extract_strided_slice %div3A_220 {offsets = [0, 4], sizes = [196, 1], strides = [1, 1]} : vector<196x5xf32> to vector<196x1xf32>
    %mul3A_237 = vector.broadcast %slice3A_236 : vector<196x1xf32> to vector<196x192xf32>
    %mul3A_238 = arith.mulf %mul3A_237, %dot_general3A_199 : vector<196x192xf32>
    %add3A_239 = arith.addf %add3A_235, %mul3A_238 : vector<196x192xf32>
    %swap3A = arith.constant 0 : index
    %swap3A_240 = arith.constant 0 : index
    %swap3A_241 = arith.constant 0 : index
    %swap3A_242 = vector.load %arg16[%swap3A, %swap3A_240, %swap3A_241] : memref<4x196x5xf32, #tpu.memory_space<vmem>>, vector<1x196x5xf32>
    %swap3A_243 = vector.shape_cast %swap3A_242 : vector<1x196x5xf32> to vector<196x5xf32>
    %swap3A_244 = vector.shape_cast %div3A_220 : vector<196x5xf32> to vector<1x196x5xf32>
    tpu.vector_store %arg16[%swap3A, %swap3A_240, %swap3A_241], %swap3A_244 {strides = array<i32>} : memref<4x196x5xf32, #tpu.memory_space<vmem>>, vector<1x196x5xf32>,
    %add3A_245 = arith.addf %add3A_16, %add3A_239 : vector<196x192xf32>
    %get3A_246 = arith.constant 0 : index
    %get3A_247 = arith.constant 0 : index
    %get3A_248 = vector.load %arg10[%get3A_246, %get3A_247] : memref<192x192xf32, #tpu.memory_space<vmem>>, vector<192x192xf32>
    %dot_general3A_249 = arith.constant dense<0.000000e+00> : vector<196x192xf32>
    %dot_general3A_250 = tpu.matmul %add3A_245, %get3A_248, %dot_general3A_249 {dimension_numbers = #tpu.dot_dimension_numbers<[1], [0], [0], [1], [0, 0, 1, 1], [], []>, transpose_lhs_hint = false} : vector<196x192xf32>, vector<192x192xf32>, vector<196x192xf32> -> vector<196x192xf32>
    %get3A_251 = arith.constant 0 : index
    %get3A_252 = arith.constant 0 : index
    %get3A_253 = vector.load %arg11[%get3A_251, %get3A_252] : memref<1x192xf32, #tpu.memory_space<vmem>>, vector<1x192xf32>
    %add3A_254 = vector.broadcast %get3A_253 : vector<1x192xf32> to vector<196x192xf32>
    %add3A_255 = arith.addf %dot_general3A_250, %add3A_254 : vector<196x192xf32>
    %max3A_256 = arith.constant 0.000000e+00 : f32
    %max3A_257 = vector.broadcast %max3A_256 : f32 to vector<196x192xf32>
    %max3A_258 = arith.maximumf %add3A_255, %max3A_257 : vector<196x192xf32>
    %get3A_259 = arith.constant 0 : index
    %get3A_260 = arith.constant 0 : index
    %get3A_261 = vector.load %arg12[%get3A_259, %get3A_260] : memref<192x768xf32, #tpu.memory_space<vmem>>, vector<192x768xf32>
    %dot_general3A_262 = arith.constant dense<0.000000e+00> : vector<196x768xf32>
    %dot_general3A_263 = tpu.matmul %max3A_258, %get3A_261, %dot_general3A_262 {dimension_numbers = #tpu.dot_dimension_numbers<[1], [0], [0], [1], [0, 0, 1, 1], [], []>, transpose_lhs_hint = false} : vector<196x192xf32>, vector<192x768xf32>, vector<196x768xf32> -> vector<196x768xf32>
    %get3A_264 = arith.constant 0 : index
    %get3A_265 = arith.constant 0 : index
    %get3A_266 = vector.load %arg13[%get3A_264, %get3A_265] : memref<1x768xf32, #tpu.memory_space<vmem>>, vector<1x768xf32>
    %add3A_267 = vector.broadcast %get3A_266 : vector<1x768xf32> to vector<196x768xf32>
    %add3A_268 = arith.addf %dot_general3A_263, %add3A_267 : vector<196x768xf32>
    %integer_pow3A = arith.mulf %add3A_268, %add3A_268 : vector<196x768xf32>
    %integer_pow3A_269 = arith.mulf %add3A_268, %integer_pow3A : vector<196x768xf32>
    %mul3A_270 = arith.constant 4.471500e-02 : f32
    %mul3A_271 = vector.broadcast %mul3A_270 : f32 to vector<196x768xf32>
    %mul3A_272 = arith.mulf %mul3A_271, %integer_pow3A_269 : vector<196x768xf32>
    %add3A_273 = arith.addf %add3A_268, %mul3A_272 : vector<196x768xf32>
    %mul3A_274 = arith.constant 0.797884583 : f32
    %mul3A_275 = vector.broadcast %mul3A_274 : f32 to vector<196x768xf32>
    %mul3A_276 = arith.mulf %mul3A_275, %add3A_273 : vector<196x768xf32>
    %tanh3A = math.tanh %mul3A_276 : vector<196x768xf32>
    %add3A_277 = arith.constant 1.000000e+00 : f32
    %add3A_278 = vector.broadcast %add3A_277 : f32 to vector<196x768xf32>
    %add3A_279 = arith.addf %add3A_278, %tanh3A : vector<196x768xf32>
    %mul3A_280 = arith.constant 5.000000e-01 : f32
    %mul3A_281 = vector.broadcast %mul3A_280 : f32 to vector<196x768xf32>
    %mul3A_282 = arith.mulf %mul3A_281, %add3A_279 : vector<196x768xf32>
    %mul3A_283 = arith.mulf %add3A_268, %mul3A_282 : vector<196x768xf32>
    %get3A_284 = arith.constant 0 : index
    %get3A_285 = arith.constant 0 : index
    %get3A_286 = vector.load %arg14[%get3A_284, %get3A_285] : memref<768x192xf32, #tpu.memory_space<vmem>>, vector<768x192xf32>
    %dot_general3A_287 = arith.constant dense<0.000000e+00> : vector<196x192xf32>
    %dot_general3A_288 = tpu.matmul %mul3A_283, %get3A_286, %dot_general3A_287 {dimension_numbers = #tpu.dot_dimension_numbers<[1], [0], [0], [1], [0, 0, 1, 1], [], []>, transpose_lhs_hint = false} : vector<196x768xf32>, vector<768x192xf32>, vector<196x192xf32> -> vector<196x192xf32>
    %add3A_289 = arith.addf %max3A_258, %dot_general3A_288 : vector<196x192xf32>
    %get3A_290 = arith.constant 0 : index
    %get3A_291 = arith.constant 0 : index
    %get3A_292 = vector.load %arg15[%get3A_290, %get3A_291] : memref<1x192xf32, #tpu.memory_space<vmem>>, vector<1x192xf32>
    %add3A_293 = vector.broadcast %get3A_292 : vector<1x192xf32> to vector<196x192xf32>
    %add3A_294 = arith.addf %add3A_289, %add3A_293 : vector<196x192xf32>
    %reduce_sum3A = arith.constant dense<0.000000e+00> : vector<192xf32>
    %reduce_sum3A_295 = vector.multi_reduction <add>, %add3A_294, %reduce_sum3A [0] : vector<196x192xf32> to vector<192xf32>
    %mul3A_296 = arith.constant 0.00510204071 : f32
    %mul3A_297 = vector.broadcast %mul3A_296 : f32 to vector<192xf32>
    %mul3A_298 = arith.mulf %reduce_sum3A_295, %mul3A_297 : vector<192xf32>
    %swap3A_299 = arith.constant 0 : index
    %swap3A_300 = arith.constant 0 : index
    %swap3A_301 = arith.constant 0 : index
    %swap3A_302 = vector.load %arg17[%swap3A_299, %swap3A_300, %swap3A_301] : memref<4x1x192xf32, #tpu.memory_space<vmem>>, vector<1x1x192xf32>
    %swap3A_303 = vector.shape_cast %swap3A_302 : vector<1x1x192xf32> to vector<192xf32>
    %swap3A_304 = vector.shape_cast %mul3A_298 : vector<192xf32> to vector<1x1x192xf32>
    tpu.vector_store %arg17[%swap3A_299, %swap3A_300, %swap3A_301], %swap3A_304 {strides = array<i32>} : memref<4x1x192xf32, #tpu.memory_space<vmem>>, vector<1x1x192xf32>,
    %get3A_305 = arith.constant 1 : index
    %get3A_306 = arith.constant 0 : index
    %get3A_307 = arith.constant 0 : index
    %get3A_308 = vector.load %arg1[%get3A_305, %get3A_306, %get3A_307] : memref<4x196x768xf32, #tpu.memory_space<vmem>>, vector<1x196x768xf32>
    %get3A_309 = vector.shape_cast %get3A_308 : vector<1x196x768xf32> to vector<196x768xf32>
    %get3A_310 = arith.constant 0 : index
    %get3A_311 = arith.constant 0 : index
    %get3A_312 = vector.load %arg3[%get3A_310, %get3A_311] : memref<768x192xf32, #tpu.memory_space<vmem>>, vector<768x192xf32>
    %dot_general3A_313 = arith.constant dense<0.000000e+00> : vector<196x192xf32>
    %dot_general3A_314 = tpu.matmul %get3A_309, %get3A_312, %dot_general3A_313 {dimension_numbers = #tpu.dot_dimension_numbers<[1], [0], [0], [1], [0, 0, 1, 1], [], []>, transpose_lhs_hint = false} : vector<196x768xf32>, vector<768x192xf32>, vector<196x192xf32> -> vector<196x192xf32>
    %get3A_315 = arith.constant 0 : index
    %get3A_316 = arith.constant 0 : index
    %get3A_317 = vector.load %arg4[%get3A_315, %get3A_316] : memref<1x192xf32, #tpu.memory_space<vmem>>, vector<1x192xf32>
    %add3A_318 = vector.broadcast %get3A_317 : vector<1x192xf32> to vector<196x192xf32>
    %add3A_319 = arith.addf %dot_general3A_314, %add3A_318 : vector<196x192xf32>
    %get3A_320 = arith.constant 0 : index
    %get3A_321 = arith.constant 0 : index
    %get3A_322 = vector.load %arg2[%get3A_320, %get3A_321] : memref<196x192xf32, #tpu.memory_space<vmem>>, vector<196x192xf32>
    %add3A_323 = arith.addf %add3A_319, %get3A_322 : vector<196x192xf32>
    %get3A_324 = arith.constant 0 : index
    %get3A_325 = arith.constant 0 : index
    %get3A_326 = vector.load %arg5[%get3A_324, %get3A_325] : memref<192x192xf32, #tpu.memory_space<vmem>>, vector<192x192xf32>
    %dot_general3A_327 = arith.constant dense<0.000000e+00> : vector<196x192xf32>
    %dot_general3A_328 = tpu.matmul %add3A_323, %get3A_326, %dot_general3A_327 {dimension_numbers = #tpu.dot_dimension_numbers<[1], [0], [0], [1], [0, 0, 1, 1], [], []>, transpose_lhs_hint = false} : vector<196x192xf32>, vector<192x192xf32>, vector<196x192xf32> -> vector<196x192xf32>
    %get3A_329 = arith.constant 0 : index
    %get3A_330 = arith.constant 0 : index
    %get3A_331 = vector.load %arg6[%get3A_329, %get3A_330] : memref<192x192xf32, #tpu.memory_space<vmem>>, vector<192x192xf32>
    %dot_general3A_332 = arith.constant dense<0.000000e+00> : vector<196x192xf32>
    %dot_general3A_333 = tpu.matmul %add3A_323, %get3A_331, %dot_general3A_332 {dimension_numbers = #tpu.dot_dimension_numbers<[1], [0], [0], [1], [0, 0, 1, 1], [], []>, transpose_lhs_hint = false} : vector<196x192xf32>, vector<192x192xf32>, vector<196x192xf32> -> vector<196x192xf32>
    %get3A_334 = arith.constant 0 : index
    %get3A_335 = arith.constant 0 : index
    %get3A_336 = vector.load %arg7[%get3A_334, %get3A_335] : memref<1x192xf32, #tpu.memory_space<vmem>>, vector<1x192xf32>
    %add3A_337 = vector.broadcast %get3A_336 : vector<1x192xf32> to vector<196x192xf32>
    %add3A_338 = arith.addf %dot_general3A_333, %add3A_337 : vector<196x192xf32>
    %dot_general3A_339 = arith.constant dense<0.000000e+00> : vector<196x196xf32>
    %dot_general3A_340 = tpu.matmul %add3A_323, %add3A_323, %dot_general3A_339 {dimension_numbers = #tpu.dot_dimension_numbers<[1], [1], [0], [0], [0, 0, 1, 0], [], []>, transpose_lhs_hint = false} : vector<196x192xf32>, vector<196x192xf32>, vector<196x196xf32> -> vector<196x196xf32>
    %mul3A_341 = arith.mulf %add3A_323, %add3A_323 : vector<196x192xf32>
    %broadcast_in_dim3A_342 = arith.constant 1.000000e+00 : f32
    %broadcast_in_dim3A_343 = vector.broadcast %broadcast_in_dim3A_342 : f32 to vector<1x192xf32>
    %dot_general3A_344 = arith.constant dense<0.000000e+00> : vector<1x196xf32>
    %dot_general3A_345 = tpu.matmul %broadcast_in_dim3A_343, %mul3A_341, %dot_general3A_344 {dimension_numbers = #tpu.dot_dimension_numbers<[1], [1], [0], [0], [0, 0, 1, 0], [], []>, precision = #tpu.contract_precision<fp32>, transpose_lhs_hint = false} : vector<1x192xf32>, vector<196x192xf32>, vector<1x196xf32> -> vector<1x196xf32>
    %mul3A_346 = arith.constant 2.000000e+00 : f32
    %mul3A_347 = vector.broadcast %mul3A_346 : f32 to vector<196x196xf32>
    %mul3A_348 = arith.mulf %mul3A_347, %dot_general3A_340 : vector<196x196xf32>
    %sub3A_349 = vector.broadcast %dot_general3A_345 : vector<1x196xf32> to vector<196x196xf32>
    %sub3A_350 = arith.subf %sub3A_349, %mul3A_348 : vector<196x196xf32>
    %eq3A_351 = arith.cmpi eq, %iota3A, %iota3A_0 : vector<196x196xi32>
    %jit3A_352 = arith.constant 1.000000e+10 : f32
    %broadcast_in_dim3A_353 = vector.broadcast %jit3A_352 : f32 to vector<196x196xf32>
    %select_n3A_354 = arith.select %eq3A_351, %broadcast_in_dim3A_353, %sub3A_350 : vector<196x196xi1>, vector<196x196xf32>
    %broadcast_in_dim3A_355 = arith.constant 0.000000e+00 : f32
    %broadcast_in_dim3A_356 = vector.broadcast %broadcast_in_dim3A_355 : f32 to vector<196x192xf32>
    %reduce_min3A_357 = arith.constant dense<0x7F800000> : vector<196xf32>
    %reduce_min3A_358 = vector.multi_reduction <minimumf>, %select_n3A_354, %reduce_min3A_357 [1] : vector<196x196xf32> to vector<196xf32>
    %broadcast_in_dim3A_359 = vector.shape_cast %reduce_min3A_358 : vector<196xf32> to vector<196x1xf32>
    %eq3A_360 = vector.broadcast %broadcast_in_dim3A_359 : vector<196x1xf32> to vector<196x196xf32>
    %eq3A_361 = arith.cmpf oeq, %select_n3A_354, %eq3A_360 : vector<196x196xf32>
    %jit3A_362 = arith.constant 196 : i32
    %broadcast_in_dim3A_363 = vector.broadcast %jit3A_362 : i32 to vector<196x196xi32>
    %select_n3A_364 = arith.select %eq3A_361, %iota3A_0, %broadcast_in_dim3A_363 : vector<196x196xi1>, vector<196x196xi32>
    %reduce_min3A_365 = arith.constant dense<2147483647> : vector<196xi32>
    %reduce_min3A_366 = vector.multi_reduction <minsi>, %select_n3A_364, %reduce_min3A_365 [1] : vector<196x196xi32> to vector<196xi32>
    %broadcast_in_dim3A_367 = vector.shape_cast %reduce_min3A_366 : vector<196xi32> to vector<196x1xi32>
    %eq3A_368 = vector.broadcast %broadcast_in_dim3A_367 : vector<196x1xi32> to vector<196x196xi32>
    %eq3A_369 = arith.cmpi eq, %iota3A_0, %eq3A_368 : vector<196x196xi32>
    %jit3A_370 = arith.constant 1.000000e+00 : f32
    %jit3A_371 = arith.constant 0.000000e+00 : f32
    %broadcast_in_dim3A_372 = vector.broadcast %jit3A_370 : f32 to vector<196x196xf32>
    %broadcast_in_dim3A_373 = vector.broadcast %jit3A_371 : f32 to vector<196x196xf32>
    %select_n3A_374 = arith.select %eq3A_369, %broadcast_in_dim3A_372, %broadcast_in_dim3A_373 : vector<196x196xi1>, vector<196x196xf32>
    %jit3A_375 = arith.constant 1.000000e+30 : f32
    %broadcast_in_dim3A_376 = vector.broadcast %jit3A_375 : f32 to vector<196x196xf32>
    %select_n3A_377 = arith.select %eq3A_369, %broadcast_in_dim3A_376, %select_n3A_354 : vector<196x196xi1>, vector<196x196xf32>
    %dot_general3A_378 = arith.constant dense<0.000000e+00> : vector<196x192xf32>
    %dot_general3A_379 = tpu.matmul %select_n3A_374, %dot_general3A_328, %dot_general3A_378 {dimension_numbers = #tpu.dot_dimension_numbers<[1], [0], [0], [1], [0, 0, 1, 1], [], []>, transpose_lhs_hint = false} : vector<196x196xf32>, vector<196x192xf32>, vector<196x192xf32> -> vector<196x192xf32>
    %dot_general3A_380 = arith.constant dense<0.000000e+00> : vector<196x192xf32>
    %dot_general3A_381 = tpu.matmul %select_n3A_374, %add3A_323, %dot_general3A_380 {dimension_numbers = #tpu.dot_dimension_numbers<[1], [0], [0], [1], [0, 0, 1, 1], [], []>, transpose_lhs_hint = false} : vector<196x196xf32>, vector<196x192xf32>, vector<196x192xf32> -> vector<196x192xf32>
    %add3A_382 = arith.addf %dot_general3A_379, %add3A_338 : vector<196x192xf32>
    %max3A_383 = arith.constant 0.000000e+00 : f32
    %max3A_384 = vector.broadcast %max3A_383 : f32 to vector<196x192xf32>
    %max3A_385 = arith.maximumf %add3A_382, %max3A_384 : vector<196x192xf32>
    %get3A_386 = arith.constant 0 : index
    %get3A_387 = arith.constant 0 : index
    %get3A_388 = vector.load %arg8[%get3A_386, %get3A_387] : memref<192x1xf32, #tpu.memory_space<vmem>>, vector<192x1xf32>
    %dot_general3A_389 = arith.constant dense<0.000000e+00> : vector<196x1xf32>
    %dot_general3A_390 = tpu.matmul %max3A_385, %get3A_388, %dot_general3A_389 {dimension_numbers = #tpu.dot_dimension_numbers<[1], [0], [0], [1], [0, 0, 1, 1], [], []>, transpose_lhs_hint = false} : vector<196x192xf32>, vector<192x1xf32>, vector<196x1xf32> -> vector<196x1xf32>
    %reduce_min3A_391 = arith.constant dense<0x7F800000> : vector<196xf32>
    %reduce_min3A_392 = vector.multi_reduction <minimumf>, %select_n3A_377, %reduce_min3A_391 [1] : vector<196x196xf32> to vector<196xf32>
    %broadcast_in_dim3A_393 = vector.shape_cast %reduce_min3A_392 : vector<196xf32> to vector<196x1xf32>
    %eq3A_394 = vector.broadcast %broadcast_in_dim3A_393 : vector<196x1xf32> to vector<196x196xf32>
    %eq3A_395 = arith.cmpf oeq, %select_n3A_377, %eq3A_394 : vector<196x196xf32>
    %jit3A_396 = arith.constant 196 : i32
    %broadcast_in_dim3A_397 = vector.broadcast %jit3A_396 : i32 to vector<196x196xi32>
    %select_n3A_398 = arith.select %eq3A_395, %iota3A_0, %broadcast_in_dim3A_397 : vector<196x196xi1>, vector<196x196xi32>
    %reduce_min3A_399 = arith.constant dense<2147483647> : vector<196xi32>
    %reduce_min3A_400 = vector.multi_reduction <minsi>, %select_n3A_398, %reduce_min3A_399 [1] : vector<196x196xi32> to vector<196xi32>
    %broadcast_in_dim3A_401 = vector.shape_cast %reduce_min3A_400 : vector<196xi32> to vector<196x1xi32>
    %eq3A_402 = vector.broadcast %broadcast_in_dim3A_401 : vector<196x1xi32> to vector<196x196xi32>
    %eq3A_403 = arith.cmpi eq, %iota3A_0, %eq3A_402 : vector<196x196xi32>
    %jit3A_404 = arith.constant 1.000000e+00 : f32
    %jit3A_405 = arith.constant 0.000000e+00 : f32
    %broadcast_in_dim3A_406 = vector.broadcast %jit3A_404 : f32 to vector<196x196xf32>
    %broadcast_in_dim3A_407 = vector.broadcast %jit3A_405 : f32 to vector<196x196xf32>
    %select_n3A_408 = arith.select %eq3A_403, %broadcast_in_dim3A_406, %broadcast_in_dim3A_407 : vector<196x196xi1>, vector<196x196xf32>
    %jit3A_409 = arith.constant 1.000000e+30 : f32
    %broadcast_in_dim3A_410 = vector.broadcast %jit3A_409 : f32 to vector<196x196xf32>
    %select_n3A_411 = arith.select %eq3A_403, %broadcast_in_dim3A_410, %select_n3A_377 : vector<196x196xi1>, vector<196x196xf32>
    %dot_general3A_412 = arith.constant dense<0.000000e+00> : vector<196x192xf32>
    %dot_general3A_413 = tpu.matmul %select_n3A_408, %dot_general3A_328, %dot_general3A_412 {dimension_numbers = #tpu.dot_dimension_numbers<[1], [0], [0], [1], [0, 0, 1, 1], [], []>, transpose_lhs_hint = false} : vector<196x196xf32>, vector<196x192xf32>, vector<196x192xf32> -> vector<196x192xf32>
    %dot_general3A_414 = arith.constant dense<0.000000e+00> : vector<196x192xf32>
    %dot_general3A_415 = tpu.matmul %select_n3A_408, %add3A_323, %dot_general3A_414 {dimension_numbers = #tpu.dot_dimension_numbers<[1], [0], [0], [1], [0, 0, 1, 1], [], []>, transpose_lhs_hint = false} : vector<196x196xf32>, vector<196x192xf32>, vector<196x192xf32> -> vector<196x192xf32>
    %add3A_416 = arith.addf %dot_general3A_413, %add3A_338 : vector<196x192xf32>
    %max3A_417 = arith.constant 0.000000e+00 : f32
    %max3A_418 = vector.broadcast %max3A_417 : f32 to vector<196x192xf32>
    %max3A_419 = arith.maximumf %add3A_416, %max3A_418 : vector<196x192xf32>
    %get3A_420 = arith.constant 0 : index
    %get3A_421 = arith.constant 0 : index
    %get3A_422 = vector.load %arg8[%get3A_420, %get3A_421] : memref<192x1xf32, #tpu.memory_space<vmem>>, vector<192x1xf32>
    %dot_general3A_423 = arith.constant dense<0.000000e+00> : vector<196x1xf32>
    %dot_general3A_424 = tpu.matmul %max3A_419, %get3A_422, %dot_general3A_423 {dimension_numbers = #tpu.dot_dimension_numbers<[1], [0], [0], [1], [0, 0, 1, 1], [], []>, transpose_lhs_hint = false} : vector<196x192xf32>, vector<192x1xf32>, vector<196x1xf32> -> vector<196x1xf32>
    %reduce_min3A_425 = arith.constant dense<0x7F800000> : vector<196xf32>
    %reduce_min3A_426 = vector.multi_reduction <minimumf>, %select_n3A_411, %reduce_min3A_425 [1] : vector<196x196xf32> to vector<196xf32>
    %broadcast_in_dim3A_427 = vector.shape_cast %reduce_min3A_426 : vector<196xf32> to vector<196x1xf32>
    %eq3A_428 = vector.broadcast %broadcast_in_dim3A_427 : vector<196x1xf32> to vector<196x196xf32>
    %eq3A_429 = arith.cmpf oeq, %select_n3A_411, %eq3A_428 : vector<196x196xf32>
    %jit3A_430 = arith.constant 196 : i32
    %broadcast_in_dim3A_431 = vector.broadcast %jit3A_430 : i32 to vector<196x196xi32>
    %select_n3A_432 = arith.select %eq3A_429, %iota3A_0, %broadcast_in_dim3A_431 : vector<196x196xi1>, vector<196x196xi32>
    %reduce_min3A_433 = arith.constant dense<2147483647> : vector<196xi32>
    %reduce_min3A_434 = vector.multi_reduction <minsi>, %select_n3A_432, %reduce_min3A_433 [1] : vector<196x196xi32> to vector<196xi32>
    %broadcast_in_dim3A_435 = vector.shape_cast %reduce_min3A_434 : vector<196xi32> to vector<196x1xi32>
    %eq3A_436 = vector.broadcast %broadcast_in_dim3A_435 : vector<196x1xi32> to vector<196x196xi32>
    %eq3A_437 = arith.cmpi eq, %iota3A_0, %eq3A_436 : vector<196x196xi32>
    %jit3A_438 = arith.constant 1.000000e+00 : f32
    %jit3A_439 = arith.constant 0.000000e+00 : f32
    %broadcast_in_dim3A_440 = vector.broadcast %jit3A_438 : f32 to vector<196x196xf32>
    %broadcast_in_dim3A_441 = vector.broadcast %jit3A_439 : f32 to vector<196x196xf32>
    %select_n3A_442 = arith.select %eq3A_437, %broadcast_in_dim3A_440, %broadcast_in_dim3A_441 : vector<196x196xi1>, vector<196x196xf32>
    %jit3A_443 = arith.constant 1.000000e+30 : f32
    %broadcast_in_dim3A_444 = vector.broadcast %jit3A_443 : f32 to vector<196x196xf32>
    %select_n3A_445 = arith.select %eq3A_437, %broadcast_in_dim3A_444, %select_n3A_411 : vector<196x196xi1>, vector<196x196xf32>
    %dot_general3A_446 = arith.constant dense<0.000000e+00> : vector<196x192xf32>
    %dot_general3A_447 = tpu.matmul %select_n3A_442, %dot_general3A_328, %dot_general3A_446 {dimension_numbers = #tpu.dot_dimension_numbers<[1], [0], [0], [1], [0, 0, 1, 1], [], []>, transpose_lhs_hint = false} : vector<196x196xf32>, vector<196x192xf32>, vector<196x192xf32> -> vector<196x192xf32>
    %dot_general3A_448 = arith.constant dense<0.000000e+00> : vector<196x192xf32>
    %dot_general3A_449 = tpu.matmul %select_n3A_442, %add3A_323, %dot_general3A_448 {dimension_numbers = #tpu.dot_dimension_numbers<[1], [0], [0], [1], [0, 0, 1, 1], [], []>, transpose_lhs_hint = false} : vector<196x196xf32>, vector<196x192xf32>, vector<196x192xf32> -> vector<196x192xf32>
    %add3A_450 = arith.addf %dot_general3A_447, %add3A_338 : vector<196x192xf32>
    %max3A_451 = arith.constant 0.000000e+00 : f32
    %max3A_452 = vector.broadcast %max3A_451 : f32 to vector<196x192xf32>
    %max3A_453 = arith.maximumf %add3A_450, %max3A_452 : vector<196x192xf32>
    %get3A_454 = arith.constant 0 : index
    %get3A_455 = arith.constant 0 : index
    %get3A_456 = vector.load %arg8[%get3A_454, %get3A_455] : memref<192x1xf32, #tpu.memory_space<vmem>>, vector<192x1xf32>
    %dot_general3A_457 = arith.constant dense<0.000000e+00> : vector<196x1xf32>
    %dot_general3A_458 = tpu.matmul %max3A_453, %get3A_456, %dot_general3A_457 {dimension_numbers = #tpu.dot_dimension_numbers<[1], [0], [0], [1], [0, 0, 1, 1], [], []>, transpose_lhs_hint = false} : vector<196x192xf32>, vector<192x1xf32>, vector<196x1xf32> -> vector<196x1xf32>
    %reduce_min3A_459 = arith.constant dense<0x7F800000> : vector<196xf32>
    %reduce_min3A_460 = vector.multi_reduction <minimumf>, %select_n3A_445, %reduce_min3A_459 [1] : vector<196x196xf32> to vector<196xf32>
    %broadcast_in_dim3A_461 = vector.shape_cast %reduce_min3A_460 : vector<196xf32> to vector<196x1xf32>
    %eq3A_462 = vector.broadcast %broadcast_in_dim3A_461 : vector<196x1xf32> to vector<196x196xf32>
    %eq3A_463 = arith.cmpf oeq, %select_n3A_445, %eq3A_462 : vector<196x196xf32>
    %jit3A_464 = arith.constant 196 : i32
    %broadcast_in_dim3A_465 = vector.broadcast %jit3A_464 : i32 to vector<196x196xi32>
    %select_n3A_466 = arith.select %eq3A_463, %iota3A_0, %broadcast_in_dim3A_465 : vector<196x196xi1>, vector<196x196xi32>
    %reduce_min3A_467 = arith.constant dense<2147483647> : vector<196xi32>
    %reduce_min3A_468 = vector.multi_reduction <minsi>, %select_n3A_466, %reduce_min3A_467 [1] : vector<196x196xi32> to vector<196xi32>
    %broadcast_in_dim3A_469 = vector.shape_cast %reduce_min3A_468 : vector<196xi32> to vector<196x1xi32>
    %eq3A_470 = vector.broadcast %broadcast_in_dim3A_469 : vector<196x1xi32> to vector<196x196xi32>
    %eq3A_471 = arith.cmpi eq, %iota3A_0, %eq3A_470 : vector<196x196xi32>
    %jit3A_472 = arith.constant 1.000000e+00 : f32
    %jit3A_473 = arith.constant 0.000000e+00 : f32
    %broadcast_in_dim3A_474 = vector.broadcast %jit3A_472 : f32 to vector<196x196xf32>
    %broadcast_in_dim3A_475 = vector.broadcast %jit3A_473 : f32 to vector<196x196xf32>
    %select_n3A_476 = arith.select %eq3A_471, %broadcast_in_dim3A_474, %broadcast_in_dim3A_475 : vector<196x196xi1>, vector<196x196xf32>
    %jit3A_477 = arith.constant 1.000000e+30 : f32
    %broadcast_in_dim3A_478 = vector.broadcast %jit3A_477 : f32 to vector<196x196xf32>
    %select_n3A_479 = arith.select %eq3A_471, %broadcast_in_dim3A_478, %select_n3A_445 : vector<196x196xi1>, vector<196x196xf32>
    %dot_general3A_480 = arith.constant dense<0.000000e+00> : vector<196x192xf32>
    %dot_general3A_481 = tpu.matmul %select_n3A_476, %dot_general3A_328, %dot_general3A_480 {dimension_numbers = #tpu.dot_dimension_numbers<[1], [0], [0], [1], [0, 0, 1, 1], [], []>, transpose_lhs_hint = false} : vector<196x196xf32>, vector<196x192xf32>, vector<196x192xf32> -> vector<196x192xf32>
    %dot_general3A_482 = arith.constant dense<0.000000e+00> : vector<196x192xf32>
    %dot_general3A_483 = tpu.matmul %select_n3A_476, %add3A_323, %dot_general3A_482 {dimension_numbers = #tpu.dot_dimension_numbers<[1], [0], [0], [1], [0, 0, 1, 1], [], []>, transpose_lhs_hint = false} : vector<196x196xf32>, vector<196x192xf32>, vector<196x192xf32> -> vector<196x192xf32>
    %add3A_484 = arith.addf %dot_general3A_481, %add3A_338 : vector<196x192xf32>
    %max3A_485 = arith.constant 0.000000e+00 : f32
    %max3A_486 = vector.broadcast %max3A_485 : f32 to vector<196x192xf32>
    %max3A_487 = arith.maximumf %add3A_484, %max3A_486 : vector<196x192xf32>
    %get3A_488 = arith.constant 0 : index
    %get3A_489 = arith.constant 0 : index
    %get3A_490 = vector.load %arg8[%get3A_488, %get3A_489] : memref<192x1xf32, #tpu.memory_space<vmem>>, vector<192x1xf32>
    %dot_general3A_491 = arith.constant dense<0.000000e+00> : vector<196x1xf32>
    %dot_general3A_492 = tpu.matmul %max3A_487, %get3A_490, %dot_general3A_491 {dimension_numbers = #tpu.dot_dimension_numbers<[1], [0], [0], [1], [0, 0, 1, 1], [], []>, transpose_lhs_hint = false} : vector<196x192xf32>, vector<192x1xf32>, vector<196x1xf32> -> vector<196x1xf32>
    %reduce_min3A_493 = arith.constant dense<0x7F800000> : vector<196xf32>
    %reduce_min3A_494 = vector.multi_reduction <minimumf>, %select_n3A_479, %reduce_min3A_493 [1] : vector<196x196xf32> to vector<196xf32>
    %broadcast_in_dim3A_495 = vector.shape_cast %reduce_min3A_494 : vector<196xf32> to vector<196x1xf32>
    %eq3A_496 = vector.broadcast %broadcast_in_dim3A_495 : vector<196x1xf32> to vector<196x196xf32>
    %eq3A_497 = arith.cmpf oeq, %select_n3A_479, %eq3A_496 : vector<196x196xf32>
    %jit3A_498 = arith.constant 196 : i32
    %broadcast_in_dim3A_499 = vector.broadcast %jit3A_498 : i32 to vector<196x196xi32>
    %select_n3A_500 = arith.select %eq3A_497, %iota3A_0, %broadcast_in_dim3A_499 : vector<196x196xi1>, vector<196x196xi32>
    %reduce_min3A_501 = arith.constant dense<2147483647> : vector<196xi32>
    %reduce_min3A_502 = vector.multi_reduction <minsi>, %select_n3A_500, %reduce_min3A_501 [1] : vector<196x196xi32> to vector<196xi32>
    %broadcast_in_dim3A_503 = vector.shape_cast %reduce_min3A_502 : vector<196xi32> to vector<196x1xi32>
    %eq3A_504 = vector.broadcast %broadcast_in_dim3A_503 : vector<196x1xi32> to vector<196x196xi32>
    %eq3A_505 = arith.cmpi eq, %iota3A_0, %eq3A_504 : vector<196x196xi32>
    %jit3A_506 = arith.constant 1.000000e+00 : f32
    %jit3A_507 = arith.constant 0.000000e+00 : f32
    %broadcast_in_dim3A_508 = vector.broadcast %jit3A_506 : f32 to vector<196x196xf32>
    %broadcast_in_dim3A_509 = vector.broadcast %jit3A_507 : f32 to vector<196x196xf32>
    %select_n3A_510 = arith.select %eq3A_505, %broadcast_in_dim3A_508, %broadcast_in_dim3A_509 : vector<196x196xi1>, vector<196x196xf32>
    %dot_general3A_511 = arith.constant dense<0.000000e+00> : vector<196x192xf32>
    %dot_general3A_512 = tpu.matmul %select_n3A_510, %dot_general3A_328, %dot_general3A_511 {dimension_numbers = #tpu.dot_dimension_numbers<[1], [0], [0], [1], [0, 0, 1, 1], [], []>, transpose_lhs_hint = false} : vector<196x196xf32>, vector<196x192xf32>, vector<196x192xf32> -> vector<196x192xf32>
    %dot_general3A_513 = arith.constant dense<0.000000e+00> : vector<196x192xf32>
    %dot_general3A_514 = tpu.matmul %select_n3A_510, %add3A_323, %dot_general3A_513 {dimension_numbers = #tpu.dot_dimension_numbers<[1], [0], [0], [1], [0, 0, 1, 1], [], []>, transpose_lhs_hint = false} : vector<196x196xf32>, vector<196x192xf32>, vector<196x192xf32> -> vector<196x192xf32>
    %add3A_515 = arith.addf %dot_general3A_512, %add3A_338 : vector<196x192xf32>
    %max3A_516 = arith.constant 0.000000e+00 : f32
    %max3A_517 = vector.broadcast %max3A_516 : f32 to vector<196x192xf32>
    %max3A_518 = arith.maximumf %add3A_515, %max3A_517 : vector<196x192xf32>
    %get3A_519 = arith.constant 0 : index
    %get3A_520 = arith.constant 0 : index
    %get3A_521 = vector.load %arg8[%get3A_519, %get3A_520] : memref<192x1xf32, #tpu.memory_space<vmem>>, vector<192x1xf32>
    %dot_general3A_522 = arith.constant dense<0.000000e+00> : vector<196x1xf32>
    %dot_general3A_523 = tpu.matmul %max3A_518, %get3A_521, %dot_general3A_522 {dimension_numbers = #tpu.dot_dimension_numbers<[1], [0], [0], [1], [0, 0, 1, 1], [], []>, transpose_lhs_hint = false} : vector<196x192xf32>, vector<192x1xf32>, vector<196x1xf32> -> vector<196x1xf32>
    %concatenate3A_524 = tpu.concatenate %dot_general3A_390, %dot_general3A_424, %dot_general3A_458, %dot_general3A_492, %dot_general3A_523 in 1 : vector<196x1xf32>, vector<196x1xf32>, vector<196x1xf32>, vector<196x1xf32>, vector<196x1xf32> -> vector<196x5xf32>
    %get3A_525 = arith.constant 0 : index
    %get3A_526 = arith.constant 0 : index
    %get3A_527 = vector.load %arg9[%get3A_525, %get3A_526] : memref<1x1xf32, #tpu.memory_space<vmem>>, vector<1x1xf32>
    %add3A_528 = vector.broadcast %get3A_527 : vector<1x1xf32> to vector<196x5xf32>
    %add3A_529 = arith.addf %concatenate3A_524, %add3A_528 : vector<196x5xf32>
    %neg3A_530 = arith.constant 0.000000e+00 : f32
    %neg3A_531 = vector.broadcast %neg3A_530 : f32 to vector<196x5xf32>
    %neg3A_532 = arith.subf %neg3A_531, %add3A_529 : vector<196x5xf32>
    %exp3A_533 = math.exp %neg3A_532 : vector<196x5xf32>
    %add3A_534 = arith.constant 1.000000e+00 : f32
    %add3A_535 = vector.broadcast %add3A_534 : f32 to vector<196x5xf32>
    %add3A_536 = arith.addf %add3A_535, %exp3A_533 : vector<196x5xf32>
    %div3A_537 = arith.constant 1.000000e+00 : f32
    %div3A_538 = vector.broadcast %div3A_537 : f32 to vector<196x5xf32>
    %div3A_539 = arith.divf %div3A_538, %add3A_536 : vector<196x5xf32>
    %slice3A_540 = vector.extract_strided_slice %div3A_539 {offsets = [0, 0], sizes = [196, 1], strides = [1, 1]} : vector<196x5xf32> to vector<196x1xf32>
    %mul3A_541 = vector.broadcast %slice3A_540 : vector<196x1xf32> to vector<196x192xf32>
    %mul3A_542 = arith.mulf %mul3A_541, %dot_general3A_381 : vector<196x192xf32>
    %add3A_543 = arith.addf %broadcast_in_dim3A_356, %mul3A_542 : vector<196x192xf32>
    %slice3A_544 = vector.extract_strided_slice %div3A_539 {offsets = [0, 1], sizes = [196, 1], strides = [1, 1]} : vector<196x5xf32> to vector<196x1xf32>
    %mul3A_545 = vector.broadcast %slice3A_544 : vector<196x1xf32> to vector<196x192xf32>
    %mul3A_546 = arith.mulf %mul3A_545, %dot_general3A_415 : vector<196x192xf32>
    %add3A_547 = arith.addf %add3A_543, %mul3A_546 : vector<196x192xf32>
    %slice3A_548 = vector.extract_strided_slice %div3A_539 {offsets = [0, 2], sizes = [196, 1], strides = [1, 1]} : vector<196x5xf32> to vector<196x1xf32>
    %mul3A_549 = vector.broadcast %slice3A_548 : vector<196x1xf32> to vector<196x192xf32>
    %mul3A_550 = arith.mulf %mul3A_549, %dot_general3A_449 : vector<196x192xf32>
    %add3A_551 = arith.addf %add3A_547, %mul3A_550 : vector<196x192xf32>
    %slice3A_552 = vector.extract_strided_slice %div3A_539 {offsets = [0, 3], sizes = [196, 1], strides = [1, 1]} : vector<196x5xf32> to vector<196x1xf32>
    %mul3A_553 = vector.broadcast %slice3A_552 : vector<196x1xf32> to vector<196x192xf32>
    %mul3A_554 = arith.mulf %mul3A_553, %dot_general3A_483 : vector<196x192xf32>
    %add3A_555 = arith.addf %add3A_551, %mul3A_554 : vector<196x192xf32>
    %slice3A_556 = vector.extract_strided_slice %div3A_539 {offsets = [0, 4], sizes = [196, 1], strides = [1, 1]} : vector<196x5xf32> to vector<196x1xf32>
    %mul3A_557 = vector.broadcast %slice3A_556 : vector<196x1xf32> to vector<196x192xf32>
    %mul3A_558 = arith.mulf %mul3A_557, %dot_general3A_514 : vector<196x192xf32>
    %add3A_559 = arith.addf %add3A_555, %mul3A_558 : vector<196x192xf32>
    %swap3A_560 = arith.constant 1 : index
    %swap3A_561 = arith.constant 0 : index
    %swap3A_562 = arith.constant 0 : index
    %swap3A_563 = vector.load %arg16[%swap3A_560, %swap3A_561, %swap3A_562] : memref<4x196x5xf32, #tpu.memory_space<vmem>>, vector<1x196x5xf32>
    %swap3A_564 = vector.shape_cast %swap3A_563 : vector<1x196x5xf32> to vector<196x5xf32>
    %swap3A_565 = vector.shape_cast %div3A_539 : vector<196x5xf32> to vector<1x196x5xf32>
    tpu.vector_store %arg16[%swap3A_560, %swap3A_561, %swap3A_562], %swap3A_565 {strides = array<i32>} : memref<4x196x5xf32, #tpu.memory_space<vmem>>, vector<1x196x5xf32>,
    %add3A_566 = arith.addf %add3A_323, %add3A_559 : vector<196x192xf32>
    %get3A_567 = arith.constant 0 : index
    %get3A_568 = arith.constant 0 : index
    %get3A_569 = vector.load %arg10[%get3A_567, %get3A_568] : memref<192x192xf32, #tpu.memory_space<vmem>>, vector<192x192xf32>
    %dot_general3A_570 = arith.constant dense<0.000000e+00> : vector<196x192xf32>
    %dot_general3A_571 = tpu.matmul %add3A_566, %get3A_569, %dot_general3A_570 {dimension_numbers = #tpu.dot_dimension_numbers<[1], [0], [0], [1], [0, 0, 1, 1], [], []>, transpose_lhs_hint = false} : vector<196x192xf32>, vector<192x192xf32>, vector<196x192xf32> -> vector<196x192xf32>
    %get3A_572 = arith.constant 0 : index
    %get3A_573 = arith.constant 0 : index
    %get3A_574 = vector.load %arg11[%get3A_572, %get3A_573] : memref<1x192xf32, #tpu.memory_space<vmem>>, vector<1x192xf32>
    %add3A_575 = vector.broadcast %get3A_574 : vector<1x192xf32> to vector<196x192xf32>
    %add3A_576 = arith.addf %dot_general3A_571, %add3A_575 : vector<196x192xf32>
    %max3A_577 = arith.constant 0.000000e+00 : f32
    %max3A_578 = vector.broadcast %max3A_577 : f32 to vector<196x192xf32>
    %max3A_579 = arith.maximumf %add3A_576, %max3A_578 : vector<196x192xf32>
    %get3A_580 = arith.constant 0 : index
    %get3A_581 = arith.constant 0 : index
    %get3A_582 = vector.load %arg12[%get3A_580, %get3A_581] : memref<192x768xf32, #tpu.memory_space<vmem>>, vector<192x768xf32>
    %dot_general3A_583 = arith.constant dense<0.000000e+00> : vector<196x768xf32>
    %dot_general3A_584 = tpu.matmul %max3A_579, %get3A_582, %dot_general3A_583 {dimension_numbers = #tpu.dot_dimension_numbers<[1], [0], [0], [1], [0, 0, 1, 1], [], []>, transpose_lhs_hint = false} : vector<196x192xf32>, vector<192x768xf32>, vector<196x768xf32> -> vector<196x768xf32>
    %get3A_585 = arith.constant 0 : index
    %get3A_586 = arith.constant 0 : index
    %get3A_587 = vector.load %arg13[%get3A_585, %get3A_586] : memref<1x768xf32, #tpu.memory_space<vmem>>, vector<1x768xf32>
    %add3A_588 = vector.broadcast %get3A_587 : vector<1x768xf32> to vector<196x768xf32>
    %add3A_589 = arith.addf %dot_general3A_584, %add3A_588 : vector<196x768xf32>
    %integer_pow3A_590 = arith.mulf %add3A_589, %add3A_589 : vector<196x768xf32>
    %integer_pow3A_591 = arith.mulf %add3A_589, %integer_pow3A_590 : vector<196x768xf32>
    %mul3A_592 = arith.constant 4.471500e-02 : f32
    %mul3A_593 = vector.broadcast %mul3A_592 : f32 to vector<196x768xf32>
    %mul3A_594 = arith.mulf %mul3A_593, %integer_pow3A_591 : vector<196x768xf32>
    %add3A_595 = arith.addf %add3A_589, %mul3A_594 : vector<196x768xf32>
    %mul3A_596 = arith.constant 0.797884583 : f32
    %mul3A_597 = vector.broadcast %mul3A_596 : f32 to vector<196x768xf32>
    %mul3A_598 = arith.mulf %mul3A_597, %add3A_595 : vector<196x768xf32>
    %tanh3A_599 = math.tanh %mul3A_598 : vector<196x768xf32>
    %add3A_600 = arith.constant 1.000000e+00 : f32
    %add3A_601 = vector.broadcast %add3A_600 : f32 to vector<196x768xf32>
    %add3A_602 = arith.addf %add3A_601, %tanh3A_599 : vector<196x768xf32>
    %mul3A_603 = arith.constant 5.000000e-01 : f32
    %mul3A_604 = vector.broadcast %mul3A_603 : f32 to vector<196x768xf32>
    %mul3A_605 = arith.mulf %mul3A_604, %add3A_602 : vector<196x768xf32>
    %mul3A_606 = arith.mulf %add3A_589, %mul3A_605 : vector<196x768xf32>
    %get3A_607 = arith.constant 0 : index
    %get3A_608 = arith.constant 0 : index
    %get3A_609 = vector.load %arg14[%get3A_607, %get3A_608] : memref<768x192xf32, #tpu.memory_space<vmem>>, vector<768x192xf32>
    %dot_general3A_610 = arith.constant dense<0.000000e+00> : vector<196x192xf32>
    %dot_general3A_611 = tpu.matmul %mul3A_606, %get3A_609, %dot_general3A_610 {dimension_numbers = #tpu.dot_dimension_numbers<[1], [0], [0], [1], [0, 0, 1, 1], [], []>, transpose_lhs_hint = false} : vector<196x768xf32>, vector<768x192xf32>, vector<196x192xf32> -> vector<196x192xf32>
    %add3A_612 = arith.addf %max3A_579, %dot_general3A_611 : vector<196x192xf32>
    %get3A_613 = arith.constant 0 : index
    %get3A_614 = arith.constant 0 : index
    %get3A_615 = vector.load %arg15[%get3A_613, %get3A_614] : memref<1x192xf32, #tpu.memory_space<vmem>>, vector<1x192xf32>
    %add3A_616 = vector.broadcast %get3A_615 : vector<1x192xf32> to vector<196x192xf32>
    %add3A_617 = arith.addf %add3A_612, %add3A_616 : vector<196x192xf32>
    %reduce_sum3A_618 = arith.constant dense<0.000000e+00> : vector<192xf32>
    %reduce_sum3A_619 = vector.multi_reduction <add>, %add3A_617, %reduce_sum3A_618 [0] : vector<196x192xf32> to vector<192xf32>
    %mul3A_620 = arith.constant 0.00510204071 : f32
    %mul3A_621 = vector.broadcast %mul3A_620 : f32 to vector<192xf32>
    %mul3A_622 = arith.mulf %reduce_sum3A_619, %mul3A_621 : vector<192xf32>
    %swap3A_623 = arith.constant 1 : index
    %swap3A_624 = arith.constant 0 : index
    %swap3A_625 = arith.constant 0 : index
    %swap3A_626 = vector.load %arg17[%swap3A_623, %swap3A_624, %swap3A_625] : memref<4x1x192xf32, #tpu.memory_space<vmem>>, vector<1x1x192xf32>
    %swap3A_627 = vector.shape_cast %swap3A_626 : vector<1x1x192xf32> to vector<192xf32>
    %swap3A_628 = vector.shape_cast %mul3A_622 : vector<192xf32> to vector<1x1x192xf32>
    tpu.vector_store %arg17[%swap3A_623, %swap3A_624, %swap3A_625], %swap3A_628 {strides = array<i32>} : memref<4x1x192xf32, #tpu.memory_space<vmem>>, vector<1x1x192xf32>,
    %get3A_629 = arith.constant 2 : index
    %get3A_630 = arith.constant 0 : index
    %get3A_631 = arith.constant 0 : index
    %get3A_632 = vector.load %arg1[%get3A_629, %get3A_630, %get3A_631] : memref<4x196x768xf32, #tpu.memory_space<vmem>>, vector<1x196x768xf32>
    %get3A_633 = vector.shape_cast %get3A_632 : vector<1x196x768xf32> to vector<196x768xf32>
    %get3A_634 = arith.constant 0 : index
    %get3A_635 = arith.constant 0 : index
    %get3A_636 = vector.load %arg3[%get3A_634, %get3A_635] : memref<768x192xf32, #tpu.memory_space<vmem>>, vector<768x192xf32>
    %dot_general3A_637 = arith.constant dense<0.000000e+00> : vector<196x192xf32>
    %dot_general3A_638 = tpu.matmul %get3A_633, %get3A_636, %dot_general3A_637 {dimension_numbers = #tpu.dot_dimension_numbers<[1], [0], [0], [1], [0, 0, 1, 1], [], []>, transpose_lhs_hint = false} : vector<196x768xf32>, vector<768x192xf32>, vector<196x192xf32> -> vector<196x192xf32>
    %get3A_639 = arith.constant 0 : index
    %get3A_640 = arith.constant 0 : index
    %get3A_641 = vector.load %arg4[%get3A_639, %get3A_640] : memref<1x192xf32, #tpu.memory_space<vmem>>, vector<1x192xf32>
    %add3A_642 = vector.broadcast %get3A_641 : vector<1x192xf32> to vector<196x192xf32>
    %add3A_643 = arith.addf %dot_general3A_638, %add3A_642 : vector<196x192xf32>
    %get3A_644 = arith.constant 0 : index
    %get3A_645 = arith.constant 0 : index
    %get3A_646 = vector.load %arg2[%get3A_644, %get3A_645] : memref<196x192xf32, #tpu.memory_space<vmem>>, vector<196x192xf32>
    %add3A_647 = arith.addf %add3A_643, %get3A_646 : vector<196x192xf32>
    %get3A_648 = arith.constant 0 : index
    %get3A_649 = arith.constant 0 : index
    %get3A_650 = vector.load %arg5[%get3A_648, %get3A_649] : memref<192x192xf32, #tpu.memory_space<vmem>>, vector<192x192xf32>
    %dot_general3A_651 = arith.constant dense<0.000000e+00> : vector<196x192xf32>
    %dot_general3A_652 = tpu.matmul %add3A_647, %get3A_650, %dot_general3A_651 {dimension_numbers = #tpu.dot_dimension_numbers<[1], [0], [0], [1], [0, 0, 1, 1], [], []>, transpose_lhs_hint = false} : vector<196x192xf32>, vector<192x192xf32>, vector<196x192xf32> -> vector<196x192xf32>
    %get3A_653 = arith.constant 0 : index
    %get3A_654 = arith.constant 0 : index
    %get3A_655 = vector.load %arg6[%get3A_653, %get3A_654] : memref<192x192xf32, #tpu.memory_space<vmem>>, vector<192x192xf32>
    %dot_general3A_656 = arith.constant dense<0.000000e+00> : vector<196x192xf32>
    %dot_general3A_657 = tpu.matmul %add3A_647, %get3A_655, %dot_general3A_656 {dimension_numbers = #tpu.dot_dimension_numbers<[1], [0], [0], [1], [0, 0, 1, 1], [], []>, transpose_lhs_hint = false} : vector<196x192xf32>, vector<192x192xf32>, vector<196x192xf32> -> vector<196x192xf32>
    %get3A_658 = arith.constant 0 : index
    %get3A_659 = arith.constant 0 : index
    %get3A_660 = vector.load %arg7[%get3A_658, %get3A_659] : memref<1x192xf32, #tpu.memory_space<vmem>>, vector<1x192xf32>
    %add3A_661 = vector.broadcast %get3A_660 : vector<1x192xf32> to vector<196x192xf32>
    %add3A_662 = arith.addf %dot_general3A_657, %add3A_661 : vector<196x192xf32>
    %dot_general3A_663 = arith.constant dense<0.000000e+00> : vector<196x196xf32>
    %dot_general3A_664 = tpu.matmul %add3A_647, %add3A_647, %dot_general3A_663 {dimension_numbers = #tpu.dot_dimension_numbers<[1], [1], [0], [0], [0, 0, 1, 0], [], []>, transpose_lhs_hint = false} : vector<196x192xf32>, vector<196x192xf32>, vector<196x196xf32> -> vector<196x196xf32>
    %mul3A_665 = arith.mulf %add3A_647, %add3A_647 : vector<196x192xf32>
    %broadcast_in_dim3A_666 = arith.constant 1.000000e+00 : f32
    %broadcast_in_dim3A_667 = vector.broadcast %broadcast_in_dim3A_666 : f32 to vector<1x192xf32>
    %dot_general3A_668 = arith.constant dense<0.000000e+00> : vector<1x196xf32>
    %dot_general3A_669 = tpu.matmul %broadcast_in_dim3A_667, %mul3A_665, %dot_general3A_668 {dimension_numbers = #tpu.dot_dimension_numbers<[1], [1], [0], [0], [0, 0, 1, 0], [], []>, precision = #tpu.contract_precision<fp32>, transpose_lhs_hint = false} : vector<1x192xf32>, vector<196x192xf32>, vector<1x196xf32> -> vector<1x196xf32>
    %mul3A_670 = arith.constant 2.000000e+00 : f32
    %mul3A_671 = vector.broadcast %mul3A_670 : f32 to vector<196x196xf32>
    %mul3A_672 = arith.mulf %mul3A_671, %dot_general3A_664 : vector<196x196xf32>
    %sub3A_673 = vector.broadcast %dot_general3A_669 : vector<1x196xf32> to vector<196x196xf32>
    %sub3A_674 = arith.subf %sub3A_673, %mul3A_672 : vector<196x196xf32>
    %eq3A_675 = arith.cmpi eq, %iota3A, %iota3A_0 : vector<196x196xi32>
    %jit3A_676 = arith.constant 1.000000e+10 : f32
    %broadcast_in_dim3A_677 = vector.broadcast %jit3A_676 : f32 to vector<196x196xf32>
    %select_n3A_678 = arith.select %eq3A_675, %broadcast_in_dim3A_677, %sub3A_674 : vector<196x196xi1>, vector<196x196xf32>
    %broadcast_in_dim3A_679 = arith.constant 0.000000e+00 : f32
    %broadcast_in_dim3A_680 = vector.broadcast %broadcast_in_dim3A_679 : f32 to vector<196x192xf32>
    %reduce_min3A_681 = arith.constant dense<0x7F800000> : vector<196xf32>
    %reduce_min3A_682 = vector.multi_reduction <minimumf>, %select_n3A_678, %reduce_min3A_681 [1] : vector<196x196xf32> to vector<196xf32>
    %broadcast_in_dim3A_683 = vector.shape_cast %reduce_min3A_682 : vector<196xf32> to vector<196x1xf32>
    %eq3A_684 = vector.broadcast %broadcast_in_dim3A_683 : vector<196x1xf32> to vector<196x196xf32>
    %eq3A_685 = arith.cmpf oeq, %select_n3A_678, %eq3A_684 : vector<196x196xf32>
    %jit3A_686 = arith.constant 196 : i32
    %broadcast_in_dim3A_687 = vector.broadcast %jit3A_686 : i32 to vector<196x196xi32>
    %select_n3A_688 = arith.select %eq3A_685, %iota3A_0, %broadcast_in_dim3A_687 : vector<196x196xi1>, vector<196x196xi32>
    %reduce_min3A_689 = arith.constant dense<2147483647> : vector<196xi32>
    %reduce_min3A_690 = vector.multi_reduction <minsi>, %select_n3A_688, %reduce_min3A_689 [1] : vector<196x196xi32> to vector<196xi32>
    %broadcast_in_dim3A_691 = vector.shape_cast %reduce_min3A_690 : vector<196xi32> to vector<196x1xi32>
    %eq3A_692 = vector.broadcast %broadcast_in_dim3A_691 : vector<196x1xi32> to vector<196x196xi32>
    %eq3A_693 = arith.cmpi eq, %iota3A_0, %eq3A_692 : vector<196x196xi32>
    %jit3A_694 = arith.constant 1.000000e+00 : f32
    %jit3A_695 = arith.constant 0.000000e+00 : f32
    %broadcast_in_dim3A_696 = vector.broadcast %jit3A_694 : f32 to vector<196x196xf32>
    %broadcast_in_dim3A_697 = vector.broadcast %jit3A_695 : f32 to vector<196x196xf32>
    %select_n3A_698 = arith.select %eq3A_693, %broadcast_in_dim3A_696, %broadcast_in_dim3A_697 : vector<196x196xi1>, vector<196x196xf32>
    %jit3A_699 = arith.constant 1.000000e+30 : f32
    %broadcast_in_dim3A_700 = vector.broadcast %jit3A_699 : f32 to vector<196x196xf32>
    %select_n3A_701 = arith.select %eq3A_693, %broadcast_in_dim3A_700, %select_n3A_678 : vector<196x196xi1>, vector<196x196xf32>
    %dot_general3A_702 = arith.constant dense<0.000000e+00> : vector<196x192xf32>
    %dot_general3A_703 = tpu.matmul %select_n3A_698, %dot_general3A_652, %dot_general3A_702 {dimension_numbers = #tpu.dot_dimension_numbers<[1], [0], [0], [1], [0, 0, 1, 1], [], []>, transpose_lhs_hint = false} : vector<196x196xf32>, vector<196x192xf32>, vector<196x192xf32> -> vector<196x192xf32>
    %dot_general3A_704 = arith.constant dense<0.000000e+00> : vector<196x192xf32>
    %dot_general3A_705 = tpu.matmul %select_n3A_698, %add3A_647, %dot_general3A_704 {dimension_numbers = #tpu.dot_dimension_numbers<[1], [0], [0], [1], [0, 0, 1, 1], [], []>, transpose_lhs_hint = false} : vector<196x196xf32>, vector<196x192xf32>, vector<196x192xf32> -> vector<196x192xf32>
    %add3A_706 = arith.addf %dot_general3A_703, %add3A_662 : vector<196x192xf32>
    %max3A_707 = arith.constant 0.000000e+00 : f32
    %max3A_708 = vector.broadcast %max3A_707 : f32 to vector<196x192xf32>
    %max3A_709 = arith.maximumf %add3A_706, %max3A_708 : vector<196x192xf32>
    %get3A_710 = arith.constant 0 : index
    %get3A_711 = arith.constant 0 : index
    %get3A_712 = vector.load %arg8[%get3A_710, %get3A_711] : memref<192x1xf32, #tpu.memory_space<vmem>>, vector<192x1xf32>
    %dot_general3A_713 = arith.constant dense<0.000000e+00> : vector<196x1xf32>
    %dot_general3A_714 = tpu.matmul %max3A_709, %get3A_712, %dot_general3A_713 {dimension_numbers = #tpu.dot_dimension_numbers<[1], [0], [0], [1], [0, 0, 1, 1], [], []>, transpose_lhs_hint = false} : vector<196x192xf32>, vector<192x1xf32>, vector<196x1xf32> -> vector<196x1xf32>
    %reduce_min3A_715 = arith.constant dense<0x7F800000> : vector<196xf32>
    %reduce_min3A_716 = vector.multi_reduction <minimumf>, %select_n3A_701, %reduce_min3A_715 [1] : vector<196x196xf32> to vector<196xf32>
    %broadcast_in_dim3A_717 = vector.shape_cast %reduce_min3A_716 : vector<196xf32> to vector<196x1xf32>
    %eq3A_718 = vector.broadcast %broadcast_in_dim3A_717 : vector<196x1xf32> to vector<196x196xf32>
    %eq3A_719 = arith.cmpf oeq, %select_n3A_701, %eq3A_718 : vector<196x196xf32>
    %jit3A_720 = arith.constant 196 : i32
    %broadcast_in_dim3A_721 = vector.broadcast %jit3A_720 : i32 to vector<196x196xi32>
    %select_n3A_722 = arith.select %eq3A_719, %iota3A_0, %broadcast_in_dim3A_721 : vector<196x196xi1>, vector<196x196xi32>
    %reduce_min3A_723 = arith.constant dense<2147483647> : vector<196xi32>
    %reduce_min3A_724 = vector.multi_reduction <minsi>, %select_n3A_722, %reduce_min3A_723 [1] : vector<196x196xi32> to vector<196xi32>
    %broadcast_in_dim3A_725 = vector.shape_cast %reduce_min3A_724 : vector<196xi32> to vector<196x1xi32>
    %eq3A_726 = vector.broadcast %broadcast_in_dim3A_725 : vector<196x1xi32> to vector<196x196xi32>
    %eq3A_727 = arith.cmpi eq, %iota3A_0, %eq3A_726 : vector<196x196xi32>
    %jit3A_728 = arith.constant 1.000000e+00 : f32
    %jit3A_729 = arith.constant 0.000000e+00 : f32
    %broadcast_in_dim3A_730 = vector.broadcast %jit3A_728 : f32 to vector<196x196xf32>
    %broadcast_in_dim3A_731 = vector.broadcast %jit3A_729 : f32 to vector<196x196xf32>
    %select_n3A_732 = arith.select %eq3A_727, %broadcast_in_dim3A_730, %broadcast_in_dim3A_731 : vector<196x196xi1>, vector<196x196xf32>
    %jit3A_733 = arith.constant 1.000000e+30 : f32
    %broadcast_in_dim3A_734 = vector.broadcast %jit3A_733 : f32 to vector<196x196xf32>
    %select_n3A_735 = arith.select %eq3A_727, %broadcast_in_dim3A_734, %select_n3A_701 : vector<196x196xi1>, vector<196x196xf32>
    %dot_general3A_736 = arith.constant dense<0.000000e+00> : vector<196x192xf32>
    %dot_general3A_737 = tpu.matmul %select_n3A_732, %dot_general3A_652, %dot_general3A_736 {dimension_numbers = #tpu.dot_dimension_numbers<[1], [0], [0], [1], [0, 0, 1, 1], [], []>, transpose_lhs_hint = false} : vector<196x196xf32>, vector<196x192xf32>, vector<196x192xf32> -> vector<196x192xf32>
    %dot_general3A_738 = arith.constant dense<0.000000e+00> : vector<196x192xf32>
    %dot_general3A_739 = tpu.matmul %select_n3A_732, %add3A_647, %dot_general3A_738 {dimension_numbers = #tpu.dot_dimension_numbers<[1], [0], [0], [1], [0, 0, 1, 1], [], []>, transpose_lhs_hint = false} : vector<196x196xf32>, vector<196x192xf32>, vector<196x192xf32> -> vector<196x192xf32>
    %add3A_740 = arith.addf %dot_general3A_737, %add3A_662 : vector<196x192xf32>
    %max3A_741 = arith.constant 0.000000e+00 : f32
    %max3A_742 = vector.broadcast %max3A_741 : f32 to vector<196x192xf32>
    %max3A_743 = arith.maximumf %add3A_740, %max3A_742 : vector<196x192xf32>
    %get3A_744 = arith.constant 0 : index
    %get3A_745 = arith.constant 0 : index
    %get3A_746 = vector.load %arg8[%get3A_744, %get3A_745] : memref<192x1xf32, #tpu.memory_space<vmem>>, vector<192x1xf32>
    %dot_general3A_747 = arith.constant dense<0.000000e+00> : vector<196x1xf32>
    %dot_general3A_748 = tpu.matmul %max3A_743, %get3A_746, %dot_general3A_747 {dimension_numbers = #tpu.dot_dimension_numbers<[1], [0], [0], [1], [0, 0, 1, 1], [], []>, transpose_lhs_hint = false} : vector<196x192xf32>, vector<192x1xf32>, vector<196x1xf32> -> vector<196x1xf32>
    %reduce_min3A_749 = arith.constant dense<0x7F800000> : vector<196xf32>
    %reduce_min3A_750 = vector.multi_reduction <minimumf>, %select_n3A_735, %reduce_min3A_749 [1] : vector<196x196xf32> to vector<196xf32>
    %broadcast_in_dim3A_751 = vector.shape_cast %reduce_min3A_750 : vector<196xf32> to vector<196x1xf32>
    %eq3A_752 = vector.broadcast %broadcast_in_dim3A_751 : vector<196x1xf32> to vector<196x196xf32>
    %eq3A_753 = arith.cmpf oeq, %select_n3A_735, %eq3A_752 : vector<196x196xf32>
    %jit3A_754 = arith.constant 196 : i32
    %broadcast_in_dim3A_755 = vector.broadcast %jit3A_754 : i32 to vector<196x196xi32>
    %select_n3A_756 = arith.select %eq3A_753, %iota3A_0, %broadcast_in_dim3A_755 : vector<196x196xi1>, vector<196x196xi32>
    %reduce_min3A_757 = arith.constant dense<2147483647> : vector<196xi32>
    %reduce_min3A_758 = vector.multi_reduction <minsi>, %select_n3A_756, %reduce_min3A_757 [1] : vector<196x196xi32> to vector<196xi32>
    %broadcast_in_dim3A_759 = vector.shape_cast %reduce_min3A_758 : vector<196xi32> to vector<196x1xi32>
    %eq3A_760 = vector.broadcast %broadcast_in_dim3A_759 : vector<196x1xi32> to vector<196x196xi32>
    %eq3A_761 = arith.cmpi eq, %iota3A_0, %eq3A_760 : vector<196x196xi32>
    %jit3A_762 = arith.constant 1.000000e+00 : f32
    %jit3A_763 = arith.constant 0.000000e+00 : f32
    %broadcast_in_dim3A_764 = vector.broadcast %jit3A_762 : f32 to vector<196x196xf32>
    %broadcast_in_dim3A_765 = vector.broadcast %jit3A_763 : f32 to vector<196x196xf32>
    %select_n3A_766 = arith.select %eq3A_761, %broadcast_in_dim3A_764, %broadcast_in_dim3A_765 : vector<196x196xi1>, vector<196x196xf32>
    %jit3A_767 = arith.constant 1.000000e+30 : f32
    %broadcast_in_dim3A_768 = vector.broadcast %jit3A_767 : f32 to vector<196x196xf32>
    %select_n3A_769 = arith.select %eq3A_761, %broadcast_in_dim3A_768, %select_n3A_735 : vector<196x196xi1>, vector<196x196xf32>
    %dot_general3A_770 = arith.constant dense<0.000000e+00> : vector<196x192xf32>
    %dot_general3A_771 = tpu.matmul %select_n3A_766, %dot_general3A_652, %dot_general3A_770 {dimension_numbers = #tpu.dot_dimension_numbers<[1], [0], [0], [1], [0, 0, 1, 1], [], []>, transpose_lhs_hint = false} : vector<196x196xf32>, vector<196x192xf32>, vector<196x192xf32> -> vector<196x192xf32>
    %dot_general3A_772 = arith.constant dense<0.000000e+00> : vector<196x192xf32>
    %dot_general3A_773 = tpu.matmul %select_n3A_766, %add3A_647, %dot_general3A_772 {dimension_numbers = #tpu.dot_dimension_numbers<[1], [0], [0], [1], [0, 0, 1, 1], [], []>, transpose_lhs_hint = false} : vector<196x196xf32>, vector<196x192xf32>, vector<196x192xf32> -> vector<196x192xf32>
    %add3A_774 = arith.addf %dot_general3A_771, %add3A_662 : vector<196x192xf32>
    %max3A_775 = arith.constant 0.000000e+00 : f32
    %max3A_776 = vector.broadcast %max3A_775 : f32 to vector<196x192xf32>
    %max3A_777 = arith.maximumf %add3A_774, %max3A_776 : vector<196x192xf32>
    %get3A_778 = arith.constant 0 : index
    %get3A_779 = arith.constant 0 : index
    %get3A_780 = vector.load %arg8[%get3A_778, %get3A_779] : memref<192x1xf32, #tpu.memory_space<vmem>>, vector<192x1xf32>
    %dot_general3A_781 = arith.constant dense<0.000000e+00> : vector<196x1xf32>
    %dot_general3A_782 = tpu.matmul %max3A_777, %get3A_780, %dot_general3A_781 {dimension_numbers = #tpu.dot_dimension_numbers<[1], [0], [0], [1], [0, 0, 1, 1], [], []>, transpose_lhs_hint = false} : vector<196x192xf32>, vector<192x1xf32>, vector<196x1xf32> -> vector<196x1xf32>
    %reduce_min3A_783 = arith.constant dense<0x7F800000> : vector<196xf32>
    %reduce_min3A_784 = vector.multi_reduction <minimumf>, %select_n3A_769, %reduce_min3A_783 [1] : vector<196x196xf32> to vector<196xf32>
    %broadcast_in_dim3A_785 = vector.shape_cast %reduce_min3A_784 : vector<196xf32> to vector<196x1xf32>
    %eq3A_786 = vector.broadcast %broadcast_in_dim3A_785 : vector<196x1xf32> to vector<196x196xf32>
    %eq3A_787 = arith.cmpf oeq, %select_n3A_769, %eq3A_786 : vector<196x196xf32>
    %jit3A_788 = arith.constant 196 : i32
    %broadcast_in_dim3A_789 = vector.broadcast %jit3A_788 : i32 to vector<196x196xi32>
    %select_n3A_790 = arith.select %eq3A_787, %iota3A_0, %broadcast_in_dim3A_789 : vector<196x196xi1>, vector<196x196xi32>
    %reduce_min3A_791 = arith.constant dense<2147483647> : vector<196xi32>
    %reduce_min3A_792 = vector.multi_reduction <minsi>, %select_n3A_790, %reduce_min3A_791 [1] : vector<196x196xi32> to vector<196xi32>
    %broadcast_in_dim3A_793 = vector.shape_cast %reduce_min3A_792 : vector<196xi32> to vector<196x1xi32>
    %eq3A_794 = vector.broadcast %broadcast_in_dim3A_793 : vector<196x1xi32> to vector<196x196xi32>
    %eq3A_795 = arith.cmpi eq, %iota3A_0, %eq3A_794 : vector<196x196xi32>
    %jit3A_796 = arith.constant 1.000000e+00 : f32
    %jit3A_797 = arith.constant 0.000000e+00 : f32
    %broadcast_in_dim3A_798 = vector.broadcast %jit3A_796 : f32 to vector<196x196xf32>
    %broadcast_in_dim3A_799 = vector.broadcast %jit3A_797 : f32 to vector<196x196xf32>
    %select_n3A_800 = arith.select %eq3A_795, %broadcast_in_dim3A_798, %broadcast_in_dim3A_799 : vector<196x196xi1>, vector<196x196xf32>
    %jit3A_801 = arith.constant 1.000000e+30 : f32
    %broadcast_in_dim3A_802 = vector.broadcast %jit3A_801 : f32 to vector<196x196xf32>
    %select_n3A_803 = arith.select %eq3A_795, %broadcast_in_dim3A_802, %select_n3A_769 : vector<196x196xi1>, vector<196x196xf32>
    %dot_general3A_804 = arith.constant dense<0.000000e+00> : vector<196x192xf32>
    %dot_general3A_805 = tpu.matmul %select_n3A_800, %dot_general3A_652, %dot_general3A_804 {dimension_numbers = #tpu.dot_dimension_numbers<[1], [0], [0], [1], [0, 0, 1, 1], [], []>, transpose_lhs_hint = false} : vector<196x196xf32>, vector<196x192xf32>, vector<196x192xf32> -> vector<196x192xf32>
    %dot_general3A_806 = arith.constant dense<0.000000e+00> : vector<196x192xf32>
    %dot_general3A_807 = tpu.matmul %select_n3A_800, %add3A_647, %dot_general3A_806 {dimension_numbers = #tpu.dot_dimension_numbers<[1], [0], [0], [1], [0, 0, 1, 1], [], []>, transpose_lhs_hint = false} : vector<196x196xf32>, vector<196x192xf32>, vector<196x192xf32> -> vector<196x192xf32>
    %add3A_808 = arith.addf %dot_general3A_805, %add3A_662 : vector<196x192xf32>
    %max3A_809 = arith.constant 0.000000e+00 : f32
    %max3A_810 = vector.broadcast %max3A_809 : f32 to vector<196x192xf32>
    %max3A_811 = arith.maximumf %add3A_808, %max3A_810 : vector<196x192xf32>
    %get3A_812 = arith.constant 0 : index
    %get3A_813 = arith.constant 0 : index
    %get3A_814 = vector.load %arg8[%get3A_812, %get3A_813] : memref<192x1xf32, #tpu.memory_space<vmem>>, vector<192x1xf32>
    %dot_general3A_815 = arith.constant dense<0.000000e+00> : vector<196x1xf32>
    %dot_general3A_816 = tpu.matmul %max3A_811, %get3A_814, %dot_general3A_815 {dimension_numbers = #tpu.dot_dimension_numbers<[1], [0], [0], [1], [0, 0, 1, 1], [], []>, transpose_lhs_hint = false} : vector<196x192xf32>, vector<192x1xf32>, vector<196x1xf32> -> vector<196x1xf32>
    %reduce_min3A_817 = arith.constant dense<0x7F800000> : vector<196xf32>
    %reduce_min3A_818 = vector.multi_reduction <minimumf>, %select_n3A_803, %reduce_min3A_817 [1] : vector<196x196xf32> to vector<196xf32>
    %broadcast_in_dim3A_819 = vector.shape_cast %reduce_min3A_818 : vector<196xf32> to vector<196x1xf32>
    %eq3A_820 = vector.broadcast %broadcast_in_dim3A_819 : vector<196x1xf32> to vector<196x196xf32>
    %eq3A_821 = arith.cmpf oeq, %select_n3A_803, %eq3A_820 : vector<196x196xf32>
    %jit3A_822 = arith.constant 196 : i32
    %broadcast_in_dim3A_823 = vector.broadcast %jit3A_822 : i32 to vector<196x196xi32>
    %select_n3A_824 = arith.select %eq3A_821, %iota3A_0, %broadcast_in_dim3A_823 : vector<196x196xi1>, vector<196x196xi32>
    %reduce_min3A_825 = arith.constant dense<2147483647> : vector<196xi32>
    %reduce_min3A_826 = vector.multi_reduction <minsi>, %select_n3A_824, %reduce_min3A_825 [1] : vector<196x196xi32> to vector<196xi32>
    %broadcast_in_dim3A_827 = vector.shape_cast %reduce_min3A_826 : vector<196xi32> to vector<196x1xi32>
    %eq3A_828 = vector.broadcast %broadcast_in_dim3A_827 : vector<196x1xi32> to vector<196x196xi32>
    %eq3A_829 = arith.cmpi eq, %iota3A_0, %eq3A_828 : vector<196x196xi32>
    %jit3A_830 = arith.constant 1.000000e+00 : f32
    %jit3A_831 = arith.constant 0.000000e+00 : f32
    %broadcast_in_dim3A_832 = vector.broadcast %jit3A_830 : f32 to vector<196x196xf32>
    %broadcast_in_dim3A_833 = vector.broadcast %jit3A_831 : f32 to vector<196x196xf32>
    %select_n3A_834 = arith.select %eq3A_829, %broadcast_in_dim3A_832, %broadcast_in_dim3A_833 : vector<196x196xi1>, vector<196x196xf32>
    %dot_general3A_835 = arith.constant dense<0.000000e+00> : vector<196x192xf32>
    %dot_general3A_836 = tpu.matmul %select_n3A_834, %dot_general3A_652, %dot_general3A_835 {dimension_numbers = #tpu.dot_dimension_numbers<[1], [0], [0], [1], [0, 0, 1, 1], [], []>, transpose_lhs_hint = false} : vector<196x196xf32>, vector<196x192xf32>, vector<196x192xf32> -> vector<196x192xf32>
    %dot_general3A_837 = arith.constant dense<0.000000e+00> : vector<196x192xf32>
    %dot_general3A_838 = tpu.matmul %select_n3A_834, %add3A_647, %dot_general3A_837 {dimension_numbers = #tpu.dot_dimension_numbers<[1], [0], [0], [1], [0, 0, 1, 1], [], []>, transpose_lhs_hint = false} : vector<196x196xf32>, vector<196x192xf32>, vector<196x192xf32> -> vector<196x192xf32>
    %add3A_839 = arith.addf %dot_general3A_836, %add3A_662 : vector<196x192xf32>
    %max3A_840 = arith.constant 0.000000e+00 : f32
    %max3A_841 = vector.broadcast %max3A_840 : f32 to vector<196x192xf32>
    %max3A_842 = arith.maximumf %add3A_839, %max3A_841 : vector<196x192xf32>
    %get3A_843 = arith.constant 0 : index
    %get3A_844 = arith.constant 0 : index
    %get3A_845 = vector.load %arg8[%get3A_843, %get3A_844] : memref<192x1xf32, #tpu.memory_space<vmem>>, vector<192x1xf32>
    %dot_general3A_846 = arith.constant dense<0.000000e+00> : vector<196x1xf32>
    %dot_general3A_847 = tpu.matmul %max3A_842, %get3A_845, %dot_general3A_846 {dimension_numbers = #tpu.dot_dimension_numbers<[1], [0], [0], [1], [0, 0, 1, 1], [], []>, transpose_lhs_hint = false} : vector<196x192xf32>, vector<192x1xf32>, vector<196x1xf32> -> vector<196x1xf32>
    %concatenate3A_848 = tpu.concatenate %dot_general3A_714, %dot_general3A_748, %dot_general3A_782, %dot_general3A_816, %dot_general3A_847 in 1 : vector<196x1xf32>, vector<196x1xf32>, vector<196x1xf32>, vector<196x1xf32>, vector<196x1xf32> -> vector<196x5xf32>
    %get3A_849 = arith.constant 0 : index
    %get3A_850 = arith.constant 0 : index
    %get3A_851 = vector.load %arg9[%get3A_849, %get3A_850] : memref<1x1xf32, #tpu.memory_space<vmem>>, vector<1x1xf32>
    %add3A_852 = vector.broadcast %get3A_851 : vector<1x1xf32> to vector<196x5xf32>
    %add3A_853 = arith.addf %concatenate3A_848, %add3A_852 : vector<196x5xf32>
    %neg3A_854 = arith.constant 0.000000e+00 : f32
    %neg3A_855 = vector.broadcast %neg3A_854 : f32 to vector<196x5xf32>
    %neg3A_856 = arith.subf %neg3A_855, %add3A_853 : vector<196x5xf32>
    %exp3A_857 = math.exp %neg3A_856 : vector<196x5xf32>
    %add3A_858 = arith.constant 1.000000e+00 : f32
    %add3A_859 = vector.broadcast %add3A_858 : f32 to vector<196x5xf32>
    %add3A_860 = arith.addf %add3A_859, %exp3A_857 : vector<196x5xf32>
    %div3A_861 = arith.constant 1.000000e+00 : f32
    %div3A_862 = vector.broadcast %div3A_861 : f32 to vector<196x5xf32>
    %div3A_863 = arith.divf %div3A_862, %add3A_860 : vector<196x5xf32>
    %slice3A_864 = vector.extract_strided_slice %div3A_863 {offsets = [0, 0], sizes = [196, 1], strides = [1, 1]} : vector<196x5xf32> to vector<196x1xf32>
    %mul3A_865 = vector.broadcast %slice3A_864 : vector<196x1xf32> to vector<196x192xf32>
    %mul3A_866 = arith.mulf %mul3A_865, %dot_general3A_705 : vector<196x192xf32>
    %add3A_867 = arith.addf %broadcast_in_dim3A_680, %mul3A_866 : vector<196x192xf32>
    %slice3A_868 = vector.extract_strided_slice %div3A_863 {offsets = [0, 1], sizes = [196, 1], strides = [1, 1]} : vector<196x5xf32> to vector<196x1xf32>
    %mul3A_869 = vector.broadcast %slice3A_868 : vector<196x1xf32> to vector<196x192xf32>
    %mul3A_870 = arith.mulf %mul3A_869, %dot_general3A_739 : vector<196x192xf32>
    %add3A_871 = arith.addf %add3A_867, %mul3A_870 : vector<196x192xf32>
    %slice3A_872 = vector.extract_strided_slice %div3A_863 {offsets = [0, 2], sizes = [196, 1], strides = [1, 1]} : vector<196x5xf32> to vector<196x1xf32>
    %mul3A_873 = vector.broadcast %slice3A_872 : vector<196x1xf32> to vector<196x192xf32>
    %mul3A_874 = arith.mulf %mul3A_873, %dot_general3A_773 : vector<196x192xf32>
    %add3A_875 = arith.addf %add3A_871, %mul3A_874 : vector<196x192xf32>
    %slice3A_876 = vector.extract_strided_slice %div3A_863 {offsets = [0, 3], sizes = [196, 1], strides = [1, 1]} : vector<196x5xf32> to vector<196x1xf32>
    %mul3A_877 = vector.broadcast %slice3A_876 : vector<196x1xf32> to vector<196x192xf32>
    %mul3A_878 = arith.mulf %mul3A_877, %dot_general3A_807 : vector<196x192xf32>
    %add3A_879 = arith.addf %add3A_875, %mul3A_878 : vector<196x192xf32>
    %slice3A_880 = vector.extract_strided_slice %div3A_863 {offsets = [0, 4], sizes = [196, 1], strides = [1, 1]} : vector<196x5xf32> to vector<196x1xf32>
    %mul3A_881 = vector.broadcast %slice3A_880 : vector<196x1xf32> to vector<196x192xf32>
    %mul3A_882 = arith.mulf %mul3A_881, %dot_general3A_838 : vector<196x192xf32>
    %add3A_883 = arith.addf %add3A_879, %mul3A_882 : vector<196x192xf32>
    %swap3A_884 = arith.constant 2 : index
    %swap3A_885 = arith.constant 0 : index
    %swap3A_886 = arith.constant 0 : index
    %swap3A_887 = vector.load %arg16[%swap3A_884, %swap3A_885, %swap3A_886] : memref<4x196x5xf32, #tpu.memory_space<vmem>>, vector<1x196x5xf32>
    %swap3A_888 = vector.shape_cast %swap3A_887 : vector<1x196x5xf32> to vector<196x5xf32>
    %swap3A_889 = vector.shape_cast %div3A_863 : vector<196x5xf32> to vector<1x196x5xf32>
    tpu.vector_store %arg16[%swap3A_884, %swap3A_885, %swap3A_886], %swap3A_889 {strides = array<i32>} : memref<4x196x5xf32, #tpu.memory_space<vmem>>, vector<1x196x5xf32>,
    %add3A_890 = arith.addf %add3A_647, %add3A_883 : vector<196x192xf32>
    %get3A_891 = arith.constant 0 : index
    %get3A_892 = arith.constant 0 : index
    %get3A_893 = vector.load %arg10[%get3A_891, %get3A_892] : memref<192x192xf32, #tpu.memory_space<vmem>>, vector<192x192xf32>
    %dot_general3A_894 = arith.constant dense<0.000000e+00> : vector<196x192xf32>
    %dot_general3A_895 = tpu.matmul %add3A_890, %get3A_893, %dot_general3A_894 {dimension_numbers = #tpu.dot_dimension_numbers<[1], [0], [0], [1], [0, 0, 1, 1], [], []>, transpose_lhs_hint = false} : vector<196x192xf32>, vector<192x192xf32>, vector<196x192xf32> -> vector<196x192xf32>
    %get3A_896 = arith.constant 0 : index
    %get3A_897 = arith.constant 0 : index
    %get3A_898 = vector.load %arg11[%get3A_896, %get3A_897] : memref<1x192xf32, #tpu.memory_space<vmem>>, vector<1x192xf32>
    %add3A_899 = vector.broadcast %get3A_898 : vector<1x192xf32> to vector<196x192xf32>
    %add3A_900 = arith.addf %dot_general3A_895, %add3A_899 : vector<196x192xf32>
    %max3A_901 = arith.constant 0.000000e+00 : f32
    %max3A_902 = vector.broadcast %max3A_901 : f32 to vector<196x192xf32>
    %max3A_903 = arith.maximumf %add3A_900, %max3A_902 : vector<196x192xf32>
    %get3A_904 = arith.constant 0 : index
    %get3A_905 = arith.constant 0 : index
    %get3A_906 = vector.load %arg12[%get3A_904, %get3A_905] : memref<192x768xf32, #tpu.memory_space<vmem>>, vector<192x768xf32>
    %dot_general3A_907 = arith.constant dense<0.000000e+00> : vector<196x768xf32>
    %dot_general3A_908 = tpu.matmul %max3A_903, %get3A_906, %dot_general3A_907 {dimension_numbers = #tpu.dot_dimension_numbers<[1], [0], [0], [1], [0, 0, 1, 1], [], []>, transpose_lhs_hint = false} : vector<196x192xf32>, vector<192x768xf32>, vector<196x768xf32> -> vector<196x768xf32>
    %get3A_909 = arith.constant 0 : index
    %get3A_910 = arith.constant 0 : index
    %get3A_911 = vector.load %arg13[%get3A_909, %get3A_910] : memref<1x768xf32, #tpu.memory_space<vmem>>, vector<1x768xf32>
    %add3A_912 = vector.broadcast %get3A_911 : vector<1x768xf32> to vector<196x768xf32>
    %add3A_913 = arith.addf %dot_general3A_908, %add3A_912 : vector<196x768xf32>
    %integer_pow3A_914 = arith.mulf %add3A_913, %add3A_913 : vector<196x768xf32>
    %integer_pow3A_915 = arith.mulf %add3A_913, %integer_pow3A_914 : vector<196x768xf32>
    %mul3A_916 = arith.constant 4.471500e-02 : f32
    %mul3A_917 = vector.broadcast %mul3A_916 : f32 to vector<196x768xf32>
    %mul3A_918 = arith.mulf %mul3A_917, %integer_pow3A_915 : vector<196x768xf32>
    %add3A_919 = arith.addf %add3A_913, %mul3A_918 : vector<196x768xf32>
    %mul3A_920 = arith.constant 0.797884583 : f32
    %mul3A_921 = vector.broadcast %mul3A_920 : f32 to vector<196x768xf32>
    %mul3A_922 = arith.mulf %mul3A_921, %add3A_919 : vector<196x768xf32>
    %tanh3A_923 = math.tanh %mul3A_922 : vector<196x768xf32>
    %add3A_924 = arith.constant 1.000000e+00 : f32
    %add3A_925 = vector.broadcast %add3A_924 : f32 to vector<196x768xf32>
    %add3A_926 = arith.addf %add3A_925, %tanh3A_923 : vector<196x768xf32>
    %mul3A_927 = arith.constant 5.000000e-01 : f32
    %mul3A_928 = vector.broadcast %mul3A_927 : f32 to vector<196x768xf32>
    %mul3A_929 = arith.mulf %mul3A_928, %add3A_926 : vector<196x768xf32>
    %mul3A_930 = arith.mulf %add3A_913, %mul3A_929 : vector<196x768xf32>
    %get3A_931 = arith.constant 0 : index
    %get3A_932 = arith.constant 0 : index
    %get3A_933 = vector.load %arg14[%get3A_931, %get3A_932] : memref<768x192xf32, #tpu.memory_space<vmem>>, vector<768x192xf32>
    %dot_general3A_934 = arith.constant dense<0.000000e+00> : vector<196x192xf32>
    %dot_general3A_935 = tpu.matmul %mul3A_930, %get3A_933, %dot_general3A_934 {dimension_numbers = #tpu.dot_dimension_numbers<[1], [0], [0], [1], [0, 0, 1, 1], [], []>, transpose_lhs_hint = false} : vector<196x768xf32>, vector<768x192xf32>, vector<196x192xf32> -> vector<196x192xf32>
    %add3A_936 = arith.addf %max3A_903, %dot_general3A_935 : vector<196x192xf32>
    %get3A_937 = arith.constant 0 : index
    %get3A_938 = arith.constant 0 : index
    %get3A_939 = vector.load %arg15[%get3A_937, %get3A_938] : memref<1x192xf32, #tpu.memory_space<vmem>>, vector<1x192xf32>
    %add3A_940 = vector.broadcast %get3A_939 : vector<1x192xf32> to vector<196x192xf32>
    %add3A_941 = arith.addf %add3A_936, %add3A_940 : vector<196x192xf32>
    %reduce_sum3A_942 = arith.constant dense<0.000000e+00> : vector<192xf32>
    %reduce_sum3A_943 = vector.multi_reduction <add>, %add3A_941, %reduce_sum3A_942 [0] : vector<196x192xf32> to vector<192xf32>
    %mul3A_944 = arith.constant 0.00510204071 : f32
    %mul3A_945 = vector.broadcast %mul3A_944 : f32 to vector<192xf32>
    %mul3A_946 = arith.mulf %reduce_sum3A_943, %mul3A_945 : vector<192xf32>
    %swap3A_947 = arith.constant 2 : index
    %swap3A_948 = arith.constant 0 : index
    %swap3A_949 = arith.constant 0 : index
    %swap3A_950 = vector.load %arg17[%swap3A_947, %swap3A_948, %swap3A_949] : memref<4x1x192xf32, #tpu.memory_space<vmem>>, vector<1x1x192xf32>
    %swap3A_951 = vector.shape_cast %swap3A_950 : vector<1x1x192xf32> to vector<192xf32>
    %swap3A_952 = vector.shape_cast %mul3A_946 : vector<192xf32> to vector<1x1x192xf32>
    tpu.vector_store %arg17[%swap3A_947, %swap3A_948, %swap3A_949], %swap3A_952 {strides = array<i32>} : memref<4x1x192xf32, #tpu.memory_space<vmem>>, vector<1x1x192xf32>,
    %get3A_953 = arith.constant 3 : index
    %get3A_954 = arith.constant 0 : index
    %get3A_955 = arith.constant 0 : index
    %get3A_956 = vector.load %arg1[%get3A_953, %get3A_954, %get3A_955] : memref<4x196x768xf32, #tpu.memory_space<vmem>>, vector<1x196x768xf32>
    %get3A_957 = vector.shape_cast %get3A_956 : vector<1x196x768xf32> to vector<196x768xf32>
    %get3A_958 = arith.constant 0 : index
    %get3A_959 = arith.constant 0 : index
    %get3A_960 = vector.load %arg3[%get3A_958, %get3A_959] : memref<768x192xf32, #tpu.memory_space<vmem>>, vector<768x192xf32>
    %dot_general3A_961 = arith.constant dense<0.000000e+00> : vector<196x192xf32>
    %dot_general3A_962 = tpu.matmul %get3A_957, %get3A_960, %dot_general3A_961 {dimension_numbers = #tpu.dot_dimension_numbers<[1], [0], [0], [1], [0, 0, 1, 1], [], []>, transpose_lhs_hint = false} : vector<196x768xf32>, vector<768x192xf32>, vector<196x192xf32> -> vector<196x192xf32>
    %get3A_963 = arith.constant 0 : index
    %get3A_964 = arith.constant 0 : index
    %get3A_965 = vector.load %arg4[%get3A_963, %get3A_964] : memref<1x192xf32, #tpu.memory_space<vmem>>, vector<1x192xf32>
    %add3A_966 = vector.broadcast %get3A_965 : vector<1x192xf32> to vector<196x192xf32>
    %add3A_967 = arith.addf %dot_general3A_962, %add3A_966 : vector<196x192xf32>
    %get3A_968 = arith.constant 0 : index
    %get3A_969 = arith.constant 0 : index
    %get3A_970 = vector.load %arg2[%get3A_968, %get3A_969] : memref<196x192xf32, #tpu.memory_space<vmem>>, vector<196x192xf32>
    %add3A_971 = arith.addf %add3A_967, %get3A_970 : vector<196x192xf32>
    %get3A_972 = arith.constant 0 : index
    %get3A_973 = arith.constant 0 : index
    %get3A_974 = vector.load %arg5[%get3A_972, %get3A_973] : memref<192x192xf32, #tpu.memory_space<vmem>>, vector<192x192xf32>
    %dot_general3A_975 = arith.constant dense<0.000000e+00> : vector<196x192xf32>
    %dot_general3A_976 = tpu.matmul %add3A_971, %get3A_974, %dot_general3A_975 {dimension_numbers = #tpu.dot_dimension_numbers<[1], [0], [0], [1], [0, 0, 1, 1], [], []>, transpose_lhs_hint = false} : vector<196x192xf32>, vector<192x192xf32>, vector<196x192xf32> -> vector<196x192xf32>
    %get3A_977 = arith.constant 0 : index
    %get3A_978 = arith.constant 0 : index
    %get3A_979 = vector.load %arg6[%get3A_977, %get3A_978] : memref<192x192xf32, #tpu.memory_space<vmem>>, vector<192x192xf32>
    %dot_general3A_980 = arith.constant dense<0.000000e+00> : vector<196x192xf32>
    %dot_general3A_981 = tpu.matmul %add3A_971, %get3A_979, %dot_general3A_980 {dimension_numbers = #tpu.dot_dimension_numbers<[1], [0], [0], [1], [0, 0, 1, 1], [], []>, transpose_lhs_hint = false} : vector<196x192xf32>, vector<192x192xf32>, vector<196x192xf32> -> vector<196x192xf32>
    %get3A_982 = arith.constant 0 : index
    %get3A_983 = arith.constant 0 : index
    %get3A_984 = vector.load %arg7[%get3A_982, %get3A_983] : memref<1x192xf32, #tpu.memory_space<vmem>>, vector<1x192xf32>
    %add3A_985 = vector.broadcast %get3A_984 : vector<1x192xf32> to vector<196x192xf32>
    %add3A_986 = arith.addf %dot_general3A_981, %add3A_985 : vector<196x192xf32>
    %dot_general3A_987 = arith.constant dense<0.000000e+00> : vector<196x196xf32>
    %dot_general3A_988 = tpu.matmul %add3A_971, %add3A_971, %dot_general3A_987 {dimension_numbers = #tpu.dot_dimension_numbers<[1], [1], [0], [0], [0, 0, 1, 0], [], []>, transpose_lhs_hint = false} : vector<196x192xf32>, vector<196x192xf32>, vector<196x196xf32> -> vector<196x196xf32>
    %mul3A_989 = arith.mulf %add3A_971, %add3A_971 : vector<196x192xf32>
    %broadcast_in_dim3A_990 = arith.constant 1.000000e+00 : f32
    %broadcast_in_dim3A_991 = vector.broadcast %broadcast_in_dim3A_990 : f32 to vector<1x192xf32>
    %dot_general3A_992 = arith.constant dense<0.000000e+00> : vector<1x196xf32>
    %dot_general3A_993 = tpu.matmul %broadcast_in_dim3A_991, %mul3A_989, %dot_general3A_992 {dimension_numbers = #tpu.dot_dimension_numbers<[1], [1], [0], [0], [0, 0, 1, 0], [], []>, precision = #tpu.contract_precision<fp32>, transpose_lhs_hint = false} : vector<1x192xf32>, vector<196x192xf32>, vector<1x196xf32> -> vector<1x196xf32>
    %mul3A_994 = arith.constant 2.000000e+00 : f32
    %mul3A_995 = vector.broadcast %mul3A_994 : f32 to vector<196x196xf32>
    %mul3A_996 = arith.mulf %mul3A_995, %dot_general3A_988 : vector<196x196xf32>
    %sub3A_997 = vector.broadcast %dot_general3A_993 : vector<1x196xf32> to vector<196x196xf32>
    %sub3A_998 = arith.subf %sub3A_997, %mul3A_996 : vector<196x196xf32>
    %eq3A_999 = arith.cmpi eq, %iota3A, %iota3A_0 : vector<196x196xi32>
    %jit3A_1000 = arith.constant 1.000000e+10 : f32
    %broadcast_in_dim3A_1001 = vector.broadcast %jit3A_1000 : f32 to vector<196x196xf32>
    %select_n3A_1002 = arith.select %eq3A_999, %broadcast_in_dim3A_1001, %sub3A_998 : vector<196x196xi1>, vector<196x196xf32>
    %broadcast_in_dim3A_1003 = arith.constant 0.000000e+00 : f32
    %broadcast_in_dim3A_1004 = vector.broadcast %broadcast_in_dim3A_1003 : f32 to vector<196x192xf32>
    %reduce_min3A_1005 = arith.constant dense<0x7F800000> : vector<196xf32>
    %reduce_min3A_1006 = vector.multi_reduction <minimumf>, %select_n3A_1002, %reduce_min3A_1005 [1] : vector<196x196xf32> to vector<196xf32>
    %broadcast_in_dim3A_1007 = vector.shape_cast %reduce_min3A_1006 : vector<196xf32> to vector<196x1xf32>
    %eq3A_1008 = vector.broadcast %broadcast_in_dim3A_1007 : vector<196x1xf32> to vector<196x196xf32>
    %eq3A_1009 = arith.cmpf oeq, %select_n3A_1002, %eq3A_1008 : vector<196x196xf32>
    %jit3A_1010 = arith.constant 196 : i32
    %broadcast_in_dim3A_1011 = vector.broadcast %jit3A_1010 : i32 to vector<196x196xi32>
    %select_n3A_1012 = arith.select %eq3A_1009, %iota3A_0, %broadcast_in_dim3A_1011 : vector<196x196xi1>, vector<196x196xi32>
    %reduce_min3A_1013 = arith.constant dense<2147483647> : vector<196xi32>
    %reduce_min3A_1014 = vector.multi_reduction <minsi>, %select_n3A_1012, %reduce_min3A_1013 [1] : vector<196x196xi32> to vector<196xi32>
    %broadcast_in_dim3A_1015 = vector.shape_cast %reduce_min3A_1014 : vector<196xi32> to vector<196x1xi32>
    %eq3A_1016 = vector.broadcast %broadcast_in_dim3A_1015 : vector<196x1xi32> to vector<196x196xi32>
    %eq3A_1017 = arith.cmpi eq, %iota3A_0, %eq3A_1016 : vector<196x196xi32>
    %jit3A_1018 = arith.constant 1.000000e+00 : f32
    %jit3A_1019 = arith.constant 0.000000e+00 : f32
    %broadcast_in_dim3A_1020 = vector.broadcast %jit3A_1018 : f32 to vector<196x196xf32>
    %broadcast_in_dim3A_1021 = vector.broadcast %jit3A_1019 : f32 to vector<196x196xf32>
    %select_n3A_1022 = arith.select %eq3A_1017, %broadcast_in_dim3A_1020, %broadcast_in_dim3A_1021 : vector<196x196xi1>, vector<196x196xf32>
    %jit3A_1023 = arith.constant 1.000000e+30 : f32
    %broadcast_in_dim3A_1024 = vector.broadcast %jit3A_1023 : f32 to vector<196x196xf32>
    %select_n3A_1025 = arith.select %eq3A_1017, %broadcast_in_dim3A_1024, %select_n3A_1002 : vector<196x196xi1>, vector<196x196xf32>
    %dot_general3A_1026 = arith.constant dense<0.000000e+00> : vector<196x192xf32>
    %dot_general3A_1027 = tpu.matmul %select_n3A_1022, %dot_general3A_976, %dot_general3A_1026 {dimension_numbers = #tpu.dot_dimension_numbers<[1], [0], [0], [1], [0, 0, 1, 1], [], []>, transpose_lhs_hint = false} : vector<196x196xf32>, vector<196x192xf32>, vector<196x192xf32> -> vector<196x192xf32>
    %dot_general3A_1028 = arith.constant dense<0.000000e+00> : vector<196x192xf32>
    %dot_general3A_1029 = tpu.matmul %select_n3A_1022, %add3A_971, %dot_general3A_1028 {dimension_numbers = #tpu.dot_dimension_numbers<[1], [0], [0], [1], [0, 0, 1, 1], [], []>, transpose_lhs_hint = false} : vector<196x196xf32>, vector<196x192xf32>, vector<196x192xf32> -> vector<196x192xf32>
    %add3A_1030 = arith.addf %dot_general3A_1027, %add3A_986 : vector<196x192xf32>
    %max3A_1031 = arith.constant 0.000000e+00 : f32
    %max3A_1032 = vector.broadcast %max3A_1031 : f32 to vector<196x192xf32>
    %max3A_1033 = arith.maximumf %add3A_1030, %max3A_1032 : vector<196x192xf32>
    %get3A_1034 = arith.constant 0 : index
    %get3A_1035 = arith.constant 0 : index
    %get3A_1036 = vector.load %arg8[%get3A_1034, %get3A_1035] : memref<192x1xf32, #tpu.memory_space<vmem>>, vector<192x1xf32>
    %dot_general3A_1037 = arith.constant dense<0.000000e+00> : vector<196x1xf32>
    %dot_general3A_1038 = tpu.matmul %max3A_1033, %get3A_1036, %dot_general3A_1037 {dimension_numbers = #tpu.dot_dimension_numbers<[1], [0], [0], [1], [0, 0, 1, 1], [], []>, transpose_lhs_hint = false} : vector<196x192xf32>, vector<192x1xf32>, vector<196x1xf32> -> vector<196x1xf32>
    %reduce_min3A_1039 = arith.constant dense<0x7F800000> : vector<196xf32>
    %reduce_min3A_1040 = vector.multi_reduction <minimumf>, %select_n3A_1025, %reduce_min3A_1039 [1] : vector<196x196xf32> to vector<196xf32>
    %broadcast_in_dim3A_1041 = vector.shape_cast %reduce_min3A_1040 : vector<196xf32> to vector<196x1xf32>
    %eq3A_1042 = vector.broadcast %broadcast_in_dim3A_1041 : vector<196x1xf32> to vector<196x196xf32>
    %eq3A_1043 = arith.cmpf oeq, %select_n3A_1025, %eq3A_1042 : vector<196x196xf32>
    %jit3A_1044 = arith.constant 196 : i32
    %broadcast_in_dim3A_1045 = vector.broadcast %jit3A_1044 : i32 to vector<196x196xi32>
    %select_n3A_1046 = arith.select %eq3A_1043, %iota3A_0, %broadcast_in_dim3A_1045 : vector<196x196xi1>, vector<196x196xi32>
    %reduce_min3A_1047 = arith.constant dense<2147483647> : vector<196xi32>
    %reduce_min3A_1048 = vector.multi_reduction <minsi>, %select_n3A_1046, %reduce_min3A_1047 [1] : vector<196x196xi32> to vector<196xi32>
    %broadcast_in_dim3A_1049 = vector.shape_cast %reduce_min3A_1048 : vector<196xi32> to vector<196x1xi32>
    %eq3A_1050 = vector.broadcast %broadcast_in_dim3A_1049 : vector<196x1xi32> to vector<196x196xi32>
    %eq3A_1051 = arith.cmpi eq, %iota3A_0, %eq3A_1050 : vector<196x196xi32>
    %jit3A_1052 = arith.constant 1.000000e+00 : f32
    %jit3A_1053 = arith.constant 0.000000e+00 : f32
    %broadcast_in_dim3A_1054 = vector.broadcast %jit3A_1052 : f32 to vector<196x196xf32>
    %broadcast_in_dim3A_1055 = vector.broadcast %jit3A_1053 : f32 to vector<196x196xf32>
    %select_n3A_1056 = arith.select %eq3A_1051, %broadcast_in_dim3A_1054, %broadcast_in_dim3A_1055 : vector<196x196xi1>, vector<196x196xf32>
    %jit3A_1057 = arith.constant 1.000000e+30 : f32
    %broadcast_in_dim3A_1058 = vector.broadcast %jit3A_1057 : f32 to vector<196x196xf32>
    %select_n3A_1059 = arith.select %eq3A_1051, %broadcast_in_dim3A_1058, %select_n3A_1025 : vector<196x196xi1>, vector<196x196xf32>
    %dot_general3A_1060 = arith.constant dense<0.000000e+00> : vector<196x192xf32>
    %dot_general3A_1061 = tpu.matmul %select_n3A_1056, %dot_general3A_976, %dot_general3A_1060 {dimension_numbers = #tpu.dot_dimension_numbers<[1], [0], [0], [1], [0, 0, 1, 1], [], []>, transpose_lhs_hint = false} : vector<196x196xf32>, vector<196x192xf32>, vector<196x192xf32> -> vector<196x192xf32>
    %dot_general3A_1062 = arith.constant dense<0.000000e+00> : vector<196x192xf32>
    %dot_general3A_1063 = tpu.matmul %select_n3A_1056, %add3A_971, %dot_general3A_1062 {dimension_numbers = #tpu.dot_dimension_numbers<[1], [0], [0], [1], [0, 0, 1, 1], [], []>, transpose_lhs_hint = false} : vector<196x196xf32>, vector<196x192xf32>, vector<196x192xf32> -> vector<196x192xf32>
    %add3A_1064 = arith.addf %dot_general3A_1061, %add3A_986 : vector<196x192xf32>
    %max3A_1065 = arith.constant 0.000000e+00 : f32
    %max3A_1066 = vector.broadcast %max3A_1065 : f32 to vector<196x192xf32>
    %max3A_1067 = arith.maximumf %add3A_1064, %max3A_1066 : vector<196x192xf32>
    %get3A_1068 = arith.constant 0 : index
    %get3A_1069 = arith.constant 0 : index
    %get3A_1070 = vector.load %arg8[%get3A_1068, %get3A_1069] : memref<192x1xf32, #tpu.memory_space<vmem>>, vector<192x1xf32>
    %dot_general3A_1071 = arith.constant dense<0.000000e+00> : vector<196x1xf32>
    %dot_general3A_1072 = tpu.matmul %max3A_1067, %get3A_1070, %dot_general3A_1071 {dimension_numbers = #tpu.dot_dimension_numbers<[1], [0], [0], [1], [0, 0, 1, 1], [], []>, transpose_lhs_hint = false} : vector<196x192xf32>, vector<192x1xf32>, vector<196x1xf32> -> vector<196x1xf32>
    %reduce_min3A_1073 = arith.constant dense<0x7F800000> : vector<196xf32>
    %reduce_min3A_1074 = vector.multi_reduction <minimumf>, %select_n3A_1059, %reduce_min3A_1073 [1] : vector<196x196xf32> to vector<196xf32>
    %broadcast_in_dim3A_1075 = vector.shape_cast %reduce_min3A_1074 : vector<196xf32> to vector<196x1xf32>
    %eq3A_1076 = vector.broadcast %broadcast_in_dim3A_1075 : vector<196x1xf32> to vector<196x196xf32>
    %eq3A_1077 = arith.cmpf oeq, %select_n3A_1059, %eq3A_1076 : vector<196x196xf32>
    %jit3A_1078 = arith.constant 196 : i32
    %broadcast_in_dim3A_1079 = vector.broadcast %jit3A_1078 : i32 to vector<196x196xi32>
    %select_n3A_1080 = arith.select %eq3A_1077, %iota3A_0, %broadcast_in_dim3A_1079 : vector<196x196xi1>, vector<196x196xi32>
    %reduce_min3A_1081 = arith.constant dense<2147483647> : vector<196xi32>
    %reduce_min3A_1082 = vector.multi_reduction <minsi>, %select_n3A_1080, %reduce_min3A_1081 [1] : vector<196x196xi32> to vector<196xi32>
    %broadcast_in_dim3A_1083 = vector.shape_cast %reduce_min3A_1082 : vector<196xi32> to vector<196x1xi32>
    %eq3A_1084 = vector.broadcast %broadcast_in_dim3A_1083 : vector<196x1xi32> to vector<196x196xi32>
    %eq3A_1085 = arith.cmpi eq, %iota3A_0, %eq3A_1084 : vector<196x196xi32>
    %jit3A_1086 = arith.constant 1.000000e+00 : f32
    %jit3A_1087 = arith.constant 0.000000e+00 : f32
    %broadcast_in_dim3A_1088 = vector.broadcast %jit3A_1086 : f32 to vector<196x196xf32>
    %broadcast_in_dim3A_1089 = vector.broadcast %jit3A_1087 : f32 to vector<196x196xf32>
    %select_n3A_1090 = arith.select %eq3A_1085, %broadcast_in_dim3A_1088, %broadcast_in_dim3A_1089 : vector<196x196xi1>, vector<196x196xf32>
    %jit3A_1091 = arith.constant 1.000000e+30 : f32
    %broadcast_in_dim3A_1092 = vector.broadcast %jit3A_1091 : f32 to vector<196x196xf32>
    %select_n3A_1093 = arith.select %eq3A_1085, %broadcast_in_dim3A_1092, %select_n3A_1059 : vector<196x196xi1>, vector<196x196xf32>
    %dot_general3A_1094 = arith.constant dense<0.000000e+00> : vector<196x192xf32>
    %dot_general3A_1095 = tpu.matmul %select_n3A_1090, %dot_general3A_976, %dot_general3A_1094 {dimension_numbers = #tpu.dot_dimension_numbers<[1], [0], [0], [1], [0, 0, 1, 1], [], []>, transpose_lhs_hint = false} : vector<196x196xf32>, vector<196x192xf32>, vector<196x192xf32> -> vector<196x192xf32>
    %dot_general3A_1096 = arith.constant dense<0.000000e+00> : vector<196x192xf32>
    %dot_general3A_1097 = tpu.matmul %select_n3A_1090, %add3A_971, %dot_general3A_1096 {dimension_numbers = #tpu.dot_dimension_numbers<[1], [0], [0], [1], [0, 0, 1, 1], [], []>, transpose_lhs_hint = false} : vector<196x196xf32>, vector<196x192xf32>, vector<196x192xf32> -> vector<196x192xf32>
    %add3A_1098 = arith.addf %dot_general3A_1095, %add3A_986 : vector<196x192xf32>
    %max3A_1099 = arith.constant 0.000000e+00 : f32
    %max3A_1100 = vector.broadcast %max3A_1099 : f32 to vector<196x192xf32>
    %max3A_1101 = arith.maximumf %add3A_1098, %max3A_1100 : vector<196x192xf32>
    %get3A_1102 = arith.constant 0 : index
    %get3A_1103 = arith.constant 0 : index
    %get3A_1104 = vector.load %arg8[%get3A_1102, %get3A_1103] : memref<192x1xf32, #tpu.memory_space<vmem>>, vector<192x1xf32>
    %dot_general3A_1105 = arith.constant dense<0.000000e+00> : vector<196x1xf32>
    %dot_general3A_1106 = tpu.matmul %max3A_1101, %get3A_1104, %dot_general3A_1105 {dimension_numbers = #tpu.dot_dimension_numbers<[1], [0], [0], [1], [0, 0, 1, 1], [], []>, transpose_lhs_hint = false} : vector<196x192xf32>, vector<192x1xf32>, vector<196x1xf32> -> vector<196x1xf32>
    %reduce_min3A_1107 = arith.constant dense<0x7F800000> : vector<196xf32>
    %reduce_min3A_1108 = vector.multi_reduction <minimumf>, %select_n3A_1093, %reduce_min3A_1107 [1] : vector<196x196xf32> to vector<196xf32>
    %broadcast_in_dim3A_1109 = vector.shape_cast %reduce_min3A_1108 : vector<196xf32> to vector<196x1xf32>
    %eq3A_1110 = vector.broadcast %broadcast_in_dim3A_1109 : vector<196x1xf32> to vector<196x196xf32>
    %eq3A_1111 = arith.cmpf oeq, %select_n3A_1093, %eq3A_1110 : vector<196x196xf32>
    %jit3A_1112 = arith.constant 196 : i32
    %broadcast_in_dim3A_1113 = vector.broadcast %jit3A_1112 : i32 to vector<196x196xi32>
    %select_n3A_1114 = arith.select %eq3A_1111, %iota3A_0, %broadcast_in_dim3A_1113 : vector<196x196xi1>, vector<196x196xi32>
    %reduce_min3A_1115 = arith.constant dense<2147483647> : vector<196xi32>
    %reduce_min3A_1116 = vector.multi_reduction <minsi>, %select_n3A_1114, %reduce_min3A_1115 [1] : vector<196x196xi32> to vector<196xi32>
    %broadcast_in_dim3A_1117 = vector.shape_cast %reduce_min3A_1116 : vector<196xi32> to vector<196x1xi32>
    %eq3A_1118 = vector.broadcast %broadcast_in_dim3A_1117 : vector<196x1xi32> to vector<196x196xi32>
    %eq3A_1119 = arith.cmpi eq, %iota3A_0, %eq3A_1118 : vector<196x196xi32>
    %jit3A_1120 = arith.constant 1.000000e+00 : f32
    %jit3A_1121 = arith.constant 0.000000e+00 : f32
    %broadcast_in_dim3A_1122 = vector.broadcast %jit3A_1120 : f32 to vector<196x196xf32>
    %broadcast_in_dim3A_1123 = vector.broadcast %jit3A_1121 : f32 to vector<196x196xf32>
    %select_n3A_1124 = arith.select %eq3A_1119, %broadcast_in_dim3A_1122, %broadcast_in_dim3A_1123 : vector<196x196xi1>, vector<196x196xf32>
    %jit3A_1125 = arith.constant 1.000000e+30 : f32
    %broadcast_in_dim3A_1126 = vector.broadcast %jit3A_1125 : f32 to vector<196x196xf32>
    %select_n3A_1127 = arith.select %eq3A_1119, %broadcast_in_dim3A_1126, %select_n3A_1093 : vector<196x196xi1>, vector<196x196xf32>
    %dot_general3A_1128 = arith.constant dense<0.000000e+00> : vector<196x192xf32>
    %dot_general3A_1129 = tpu.matmul %select_n3A_1124, %dot_general3A_976, %dot_general3A_1128 {dimension_numbers = #tpu.dot_dimension_numbers<[1], [0], [0], [1], [0, 0, 1, 1], [], []>, transpose_lhs_hint = false} : vector<196x196xf32>, vector<196x192xf32>, vector<196x192xf32> -> vector<196x192xf32>
    %dot_general3A_1130 = arith.constant dense<0.000000e+00> : vector<196x192xf32>
    %dot_general3A_1131 = tpu.matmul %select_n3A_1124, %add3A_971, %dot_general3A_1130 {dimension_numbers = #tpu.dot_dimension_numbers<[1], [0], [0], [1], [0, 0, 1, 1], [], []>, transpose_lhs_hint = false} : vector<196x196xf32>, vector<196x192xf32>, vector<196x192xf32> -> vector<196x192xf32>
    %add3A_1132 = arith.addf %dot_general3A_1129, %add3A_986 : vector<196x192xf32>
    %max3A_1133 = arith.constant 0.000000e+00 : f32
    %max3A_1134 = vector.broadcast %max3A_1133 : f32 to vector<196x192xf32>
    %max3A_1135 = arith.maximumf %add3A_1132, %max3A_1134 : vector<196x192xf32>
    %get3A_1136 = arith.constant 0 : index
    %get3A_1137 = arith.constant 0 : index
    %get3A_1138 = vector.load %arg8[%get3A_1136, %get3A_1137] : memref<192x1xf32, #tpu.memory_space<vmem>>, vector<192x1xf32>
    %dot_general3A_1139 = arith.constant dense<0.000000e+00> : vector<196x1xf32>
    %dot_general3A_1140 = tpu.matmul %max3A_1135, %get3A_1138, %dot_general3A_1139 {dimension_numbers = #tpu.dot_dimension_numbers<[1], [0], [0], [1], [0, 0, 1, 1], [], []>, transpose_lhs_hint = false} : vector<196x192xf32>, vector<192x1xf32>, vector<196x1xf32> -> vector<196x1xf32>
    %reduce_min3A_1141 = arith.constant dense<0x7F800000> : vector<196xf32>
    %reduce_min3A_1142 = vector.multi_reduction <minimumf>, %select_n3A_1127, %reduce_min3A_1141 [1] : vector<196x196xf32> to vector<196xf32>
    %broadcast_in_dim3A_1143 = vector.shape_cast %reduce_min3A_1142 : vector<196xf32> to vector<196x1xf32>
    %eq3A_1144 = vector.broadcast %broadcast_in_dim3A_1143 : vector<196x1xf32> to vector<196x196xf32>
    %eq3A_1145 = arith.cmpf oeq, %select_n3A_1127, %eq3A_1144 : vector<196x196xf32>
    %jit3A_1146 = arith.constant 196 : i32
    %broadcast_in_dim3A_1147 = vector.broadcast %jit3A_1146 : i32 to vector<196x196xi32>
    %select_n3A_1148 = arith.select %eq3A_1145, %iota3A_0, %broadcast_in_dim3A_1147 : vector<196x196xi1>, vector<196x196xi32>
    %reduce_min3A_1149 = arith.constant dense<2147483647> : vector<196xi32>
    %reduce_min3A_1150 = vector.multi_reduction <minsi>, %select_n3A_1148, %reduce_min3A_1149 [1] : vector<196x196xi32> to vector<196xi32>
    %broadcast_in_dim3A_1151 = vector.shape_cast %reduce_min3A_1150 : vector<196xi32> to vector<196x1xi32>
    %eq3A_1152 = vector.broadcast %broadcast_in_dim3A_1151 : vector<196x1xi32> to vector<196x196xi32>
    %eq3A_1153 = arith.cmpi eq, %iota3A_0, %eq3A_1152 : vector<196x196xi32>
    %jit3A_1154 = arith.constant 1.000000e+00 : f32
    %jit3A_1155 = arith.constant 0.000000e+00 : f32
    %broadcast_in_dim3A_1156 = vector.broadcast %jit3A_1154 : f32 to vector<196x196xf32>
    %broadcast_in_dim3A_1157 = vector.broadcast %jit3A_1155 : f32 to vector<196x196xf32>
    %select_n3A_1158 = arith.select %eq3A_1153, %broadcast_in_dim3A_1156, %broadcast_in_dim3A_1157 : vector<196x196xi1>, vector<196x196xf32>
    %dot_general3A_1159 = arith.constant dense<0.000000e+00> : vector<196x192xf32>
    %dot_general3A_1160 = tpu.matmul %select_n3A_1158, %dot_general3A_976, %dot_general3A_1159 {dimension_numbers = #tpu.dot_dimension_numbers<[1], [0], [0], [1], [0, 0, 1, 1], [], []>, transpose_lhs_hint = false} : vector<196x196xf32>, vector<196x192xf32>, vector<196x192xf32> -> vector<196x192xf32>
    %dot_general3A_1161 = arith.constant dense<0.000000e+00> : vector<196x192xf32>
    %dot_general3A_1162 = tpu.matmul %select_n3A_1158, %add3A_971, %dot_general3A_1161 {dimension_numbers = #tpu.dot_dimension_numbers<[1], [0], [0], [1], [0, 0, 1, 1], [], []>, transpose_lhs_hint = false} : vector<196x196xf32>, vector<196x192xf32>, vector<196x192xf32> -> vector<196x192xf32>
    %add3A_1163 = arith.addf %dot_general3A_1160, %add3A_986 : vector<196x192xf32>
    %max3A_1164 = arith.constant 0.000000e+00 : f32
    %max3A_1165 = vector.broadcast %max3A_1164 : f32 to vector<196x192xf32>
    %max3A_1166 = arith.maximumf %add3A_1163, %max3A_1165 : vector<196x192xf32>
    %get3A_1167 = arith.constant 0 : index
    %get3A_1168 = arith.constant 0 : index
    %get3A_1169 = vector.load %arg8[%get3A_1167, %get3A_1168] : memref<192x1xf32, #tpu.memory_space<vmem>>, vector<192x1xf32>
    %dot_general3A_1170 = arith.constant dense<0.000000e+00> : vector<196x1xf32>
    %dot_general3A_1171 = tpu.matmul %max3A_1166, %get3A_1169, %dot_general3A_1170 {dimension_numbers = #tpu.dot_dimension_numbers<[1], [0], [0], [1], [0, 0, 1, 1], [], []>, transpose_lhs_hint = false} : vector<196x192xf32>, vector<192x1xf32>, vector<196x1xf32> -> vector<196x1xf32>
    %concatenate3A_1172 = tpu.concatenate %dot_general3A_1038, %dot_general3A_1072, %dot_general3A_1106, %dot_general3A_1140, %dot_general3A_1171 in 1 : vector<196x1xf32>, vector<196x1xf32>, vector<196x1xf32>, vector<196x1xf32>, vector<196x1xf32> -> vector<196x5xf32>
    %get3A_1173 = arith.constant 0 : index
    %get3A_1174 = arith.constant 0 : index
    %get3A_1175 = vector.load %arg9[%get3A_1173, %get3A_1174] : memref<1x1xf32, #tpu.memory_space<vmem>>, vector<1x1xf32>
    %add3A_1176 = vector.broadcast %get3A_1175 : vector<1x1xf32> to vector<196x5xf32>
    %add3A_1177 = arith.addf %concatenate3A_1172, %add3A_1176 : vector<196x5xf32>
    %neg3A_1178 = arith.constant 0.000000e+00 : f32
    %neg3A_1179 = vector.broadcast %neg3A_1178 : f32 to vector<196x5xf32>
    %neg3A_1180 = arith.subf %neg3A_1179, %add3A_1177 : vector<196x5xf32>
    %exp3A_1181 = math.exp %neg3A_1180 : vector<196x5xf32>
    %add3A_1182 = arith.constant 1.000000e+00 : f32
    %add3A_1183 = vector.broadcast %add3A_1182 : f32 to vector<196x5xf32>
    %add3A_1184 = arith.addf %add3A_1183, %exp3A_1181 : vector<196x5xf32>
    %div3A_1185 = arith.constant 1.000000e+00 : f32
    %div3A_1186 = vector.broadcast %div3A_1185 : f32 to vector<196x5xf32>
    %div3A_1187 = arith.divf %div3A_1186, %add3A_1184 : vector<196x5xf32>
    %slice3A_1188 = vector.extract_strided_slice %div3A_1187 {offsets = [0, 0], sizes = [196, 1], strides = [1, 1]} : vector<196x5xf32> to vector<196x1xf32>
    %mul3A_1189 = vector.broadcast %slice3A_1188 : vector<196x1xf32> to vector<196x192xf32>
    %mul3A_1190 = arith.mulf %mul3A_1189, %dot_general3A_1029 : vector<196x192xf32>
    %add3A_1191 = arith.addf %broadcast_in_dim3A_1004, %mul3A_1190 : vector<196x192xf32>
    %slice3A_1192 = vector.extract_strided_slice %div3A_1187 {offsets = [0, 1], sizes = [196, 1], strides = [1, 1]} : vector<196x5xf32> to vector<196x1xf32>
    %mul3A_1193 = vector.broadcast %slice3A_1192 : vector<196x1xf32> to vector<196x192xf32>
    %mul3A_1194 = arith.mulf %mul3A_1193, %dot_general3A_1063 : vector<196x192xf32>
    %add3A_1195 = arith.addf %add3A_1191, %mul3A_1194 : vector<196x192xf32>
    %slice3A_1196 = vector.extract_strided_slice %div3A_1187 {offsets = [0, 2], sizes = [196, 1], strides = [1, 1]} : vector<196x5xf32> to vector<196x1xf32>
    %mul3A_1197 = vector.broadcast %slice3A_1196 : vector<196x1xf32> to vector<196x192xf32>
    %mul3A_1198 = arith.mulf %mul3A_1197, %dot_general3A_1097 : vector<196x192xf32>
    %add3A_1199 = arith.addf %add3A_1195, %mul3A_1198 : vector<196x192xf32>
    %slice3A_1200 = vector.extract_strided_slice %div3A_1187 {offsets = [0, 3], sizes = [196, 1], strides = [1, 1]} : vector<196x5xf32> to vector<196x1xf32>
    %mul3A_1201 = vector.broadcast %slice3A_1200 : vector<196x1xf32> to vector<196x192xf32>
    %mul3A_1202 = arith.mulf %mul3A_1201, %dot_general3A_1131 : vector<196x192xf32>
    %add3A_1203 = arith.addf %add3A_1199, %mul3A_1202 : vector<196x192xf32>
    %slice3A_1204 = vector.extract_strided_slice %div3A_1187 {offsets = [0, 4], sizes = [196, 1], strides = [1, 1]} : vector<196x5xf32> to vector<196x1xf32>
    %mul3A_1205 = vector.broadcast %slice3A_1204 : vector<196x1xf32> to vector<196x192xf32>
    %mul3A_1206 = arith.mulf %mul3A_1205, %dot_general3A_1162 : vector<196x192xf32>
    %add3A_1207 = arith.addf %add3A_1203, %mul3A_1206 : vector<196x192xf32>
    %swap3A_1208 = arith.constant 3 : index
    %swap3A_1209 = arith.constant 0 : index
    %swap3A_1210 = arith.constant 0 : index
    %swap3A_1211 = vector.load %arg16[%swap3A_1208, %swap3A_1209, %swap3A_1210] : memref<4x196x5xf32, #tpu.memory_space<vmem>>, vector<1x196x5xf32>
    %swap3A_1212 = vector.shape_cast %swap3A_1211 : vector<1x196x5xf32> to vector<196x5xf32>
    %swap3A_1213 = vector.shape_cast %div3A_1187 : vector<196x5xf32> to vector<1x196x5xf32>
    tpu.vector_store %arg16[%swap3A_1208, %swap3A_1209, %swap3A_1210], %swap3A_1213 {strides = array<i32>} : memref<4x196x5xf32, #tpu.memory_space<vmem>>, vector<1x196x5xf32>,
    %add3A_1214 = arith.addf %add3A_971, %add3A_1207 : vector<196x192xf32>
    %get3A_1215 = arith.constant 0 : index
    %get3A_1216 = arith.constant 0 : index
    %get3A_1217 = vector.load %arg10[%get3A_1215, %get3A_1216] : memref<192x192xf32, #tpu.memory_space<vmem>>, vector<192x192xf32>
    %dot_general3A_1218 = arith.constant dense<0.000000e+00> : vector<196x192xf32>
    %dot_general3A_1219 = tpu.matmul %add3A_1214, %get3A_1217, %dot_general3A_1218 {dimension_numbers = #tpu.dot_dimension_numbers<[1], [0], [0], [1], [0, 0, 1, 1], [], []>, transpose_lhs_hint = false} : vector<196x192xf32>, vector<192x192xf32>, vector<196x192xf32> -> vector<196x192xf32>
    %get3A_1220 = arith.constant 0 : index
    %get3A_1221 = arith.constant 0 : index
    %get3A_1222 = vector.load %arg11[%get3A_1220, %get3A_1221] : memref<1x192xf32, #tpu.memory_space<vmem>>, vector<1x192xf32>
    %add3A_1223 = vector.broadcast %get3A_1222 : vector<1x192xf32> to vector<196x192xf32>
    %add3A_1224 = arith.addf %dot_general3A_1219, %add3A_1223 : vector<196x192xf32>
    %max3A_1225 = arith.constant 0.000000e+00 : f32
    %max3A_1226 = vector.broadcast %max3A_1225 : f32 to vector<196x192xf32>
    %max3A_1227 = arith.maximumf %add3A_1224, %max3A_1226 : vector<196x192xf32>
    %get3A_1228 = arith.constant 0 : index
    %get3A_1229 = arith.constant 0 : index
    %get3A_1230 = vector.load %arg12[%get3A_1228, %get3A_1229] : memref<192x768xf32, #tpu.memory_space<vmem>>, vector<192x768xf32>
    %dot_general3A_1231 = arith.constant dense<0.000000e+00> : vector<196x768xf32>
    %dot_general3A_1232 = tpu.matmul %max3A_1227, %get3A_1230, %dot_general3A_1231 {dimension_numbers = #tpu.dot_dimension_numbers<[1], [0], [0], [1], [0, 0, 1, 1], [], []>, transpose_lhs_hint = false} : vector<196x192xf32>, vector<192x768xf32>, vector<196x768xf32> -> vector<196x768xf32>
    %get3A_1233 = arith.constant 0 : index
    %get3A_1234 = arith.constant 0 : index
    %get3A_1235 = vector.load %arg13[%get3A_1233, %get3A_1234] : memref<1x768xf32, #tpu.memory_space<vmem>>, vector<1x768xf32>
    %add3A_1236 = vector.broadcast %get3A_1235 : vector<1x768xf32> to vector<196x768xf32>
    %add3A_1237 = arith.addf %dot_general3A_1232, %add3A_1236 : vector<196x768xf32>
    %integer_pow3A_1238 = arith.mulf %add3A_1237, %add3A_1237 : vector<196x768xf32>
    %integer_pow3A_1239 = arith.mulf %add3A_1237, %integer_pow3A_1238 : vector<196x768xf32>
    %mul3A_1240 = arith.constant 4.471500e-02 : f32
    %mul3A_1241 = vector.broadcast %mul3A_1240 : f32 to vector<196x768xf32>
    %mul3A_1242 = arith.mulf %mul3A_1241, %integer_pow3A_1239 : vector<196x768xf32>
    %add3A_1243 = arith.addf %add3A_1237, %mul3A_1242 : vector<196x768xf32>
    %mul3A_1244 = arith.constant 0.797884583 : f32
    %mul3A_1245 = vector.broadcast %mul3A_1244 : f32 to vector<196x768xf32>
    %mul3A_1246 = arith.mulf %mul3A_1245, %add3A_1243 : vector<196x768xf32>
    %tanh3A_1247 = math.tanh %mul3A_1246 : vector<196x768xf32>
    %add3A_1248 = arith.constant 1.000000e+00 : f32
    %add3A_1249 = vector.broadcast %add3A_1248 : f32 to vector<196x768xf32>
    %add3A_1250 = arith.addf %add3A_1249, %tanh3A_1247 : vector<196x768xf32>
    %mul3A_1251 = arith.constant 5.000000e-01 : f32
    %mul3A_1252 = vector.broadcast %mul3A_1251 : f32 to vector<196x768xf32>
    %mul3A_1253 = arith.mulf %mul3A_1252, %add3A_1250 : vector<196x768xf32>
    %mul3A_1254 = arith.mulf %add3A_1237, %mul3A_1253 : vector<196x768xf32>
    %get3A_1255 = arith.constant 0 : index
    %get3A_1256 = arith.constant 0 : index
    %get3A_1257 = vector.load %arg14[%get3A_1255, %get3A_1256] : memref<768x192xf32, #tpu.memory_space<vmem>>, vector<768x192xf32>
    %dot_general3A_1258 = arith.constant dense<0.000000e+00> : vector<196x192xf32>
    %dot_general3A_1259 = tpu.matmul %mul3A_1254, %get3A_1257, %dot_general3A_1258 {dimension_numbers = #tpu.dot_dimension_numbers<[1], [0], [0], [1], [0, 0, 1, 1], [], []>, transpose_lhs_hint = false} : vector<196x768xf32>, vector<768x192xf32>, vector<196x192xf32> -> vector<196x192xf32>
    %add3A_1260 = arith.addf %max3A_1227, %dot_general3A_1259 : vector<196x192xf32>
    %get3A_1261 = arith.constant 0 : index
    %get3A_1262 = arith.constant 0 : index
    %get3A_1263 = vector.load %arg15[%get3A_1261, %get3A_1262] : memref<1x192xf32, #tpu.memory_space<vmem>>, vector<1x192xf32>
    %add3A_1264 = vector.broadcast %get3A_1263 : vector<1x192xf32> to vector<196x192xf32>
    %add3A_1265 = arith.addf %add3A_1260, %add3A_1264 : vector<196x192xf32>
    %reduce_sum3A_1266 = arith.constant dense<0.000000e+00> : vector<192xf32>
    %reduce_sum3A_1267 = vector.multi_reduction <add>, %add3A_1265, %reduce_sum3A_1266 [0] : vector<196x192xf32> to vector<192xf32>
    %mul3A_1268 = arith.constant 0.00510204071 : f32
    %mul3A_1269 = vector.broadcast %mul3A_1268 : f32 to vector<192xf32>
    %mul3A_1270 = arith.mulf %reduce_sum3A_1267, %mul3A_1269 : vector<192xf32>
    %swap3A_1271 = arith.constant 3 : index
    %swap3A_1272 = arith.constant 0 : index
    %swap3A_1273 = arith.constant 0 : index
    %swap3A_1274 = vector.load %arg17[%swap3A_1271, %swap3A_1272, %swap3A_1273] : memref<4x1x192xf32, #tpu.memory_space<vmem>>, vector<1x1x192xf32>
    %swap3A_1275 = vector.shape_cast %swap3A_1274 : vector<1x1x192xf32> to vector<192xf32>
    %swap3A_1276 = vector.shape_cast %mul3A_1270 : vector<192xf32> to vector<1x1x192xf32>
    tpu.vector_store %arg17[%swap3A_1271, %swap3A_1272, %swap3A_1273], %swap3A_1276 {strides = array<i32>} : memref<4x1x192xf32, #tpu.memory_space<vmem>>, vector<1x1x192xf32>,
    return
  }
  func.func @transform_0(%arg0: i32) -> (i32, i32, i32) {
    %c0_i32 = arith.constant 0 : i32
    %c0_i32_0 = arith.constant 0 : i32
    %c0_i32_1 = arith.constant 0 : i32
    return %arg0, %c0_i32, %c0_i32_0 : i32, i32, i32
  }
  func.func @transform_1(%arg0: i32) -> (i32, i32) {
    %c0_i32 = arith.constant 0 : i32
    %c0_i32_0 = arith.constant 0 : i32
    %c0_i32_1 = arith.constant 0 : i32
    return %c0_i32, %c0_i32_0 : i32, i32
  }
  func.func @transform_2(%arg0: i32) -> (i32, i32) {
    %c0_i32 = arith.constant 0 : i32
    %c0_i32_0 = arith.constant 0 : i32
    %c0_i32_1 = arith.constant 0 : i32
    return %c0_i32, %c0_i32_0 : i32, i32
  }
  func.func @transform_3(%arg0: i32) -> (i32, i32) {
    %c0_i32 = arith.constant 0 : i32
    %c0_i32_0 = arith.constant 0 : i32
    %c0_i32_1 = arith.constant 0 : i32
    return %c0_i32, %c0_i32_0 : i32, i32
  }
  func.func @transform_4(%arg0: i32) -> (i32, i32) {
    %c0_i32 = arith.constant 0 : i32
    %c0_i32_0 = arith.constant 0 : i32
    %c0_i32_1 = arith.constant 0 : i32
    return %c0_i32, %c0_i32_0 : i32, i32
  }
  func.func @transform_5(%arg0: i32) -> (i32, i32) {
    %c0_i32 = arith.constant 0 : i32
    %c0_i32_0 = arith.constant 0 : i32
    %c0_i32_1 = arith.constant 0 : i32
    return %c0_i32, %c0_i32_0 : i32, i32
  }
  func.func @transform_6(%arg0: i32) -> (i32, i32) {
    %c0_i32 = arith.constant 0 : i32
    %c0_i32_0 = arith.constant 0 : i32
    %c0_i32_1 = arith.constant 0 : i32
    return %c0_i32, %c0_i32_0 : i32, i32
  }
  func.func @transform_7(%arg0: i32) -> (i32, i32) {
    %c0_i32 = arith.constant 0 : i32
    %c0_i32_0 = arith.constant 0 : i32
    %c0_i32_1 = arith.constant 0 : i32
    return %c0_i32, %c0_i32_0 : i32, i32
  }
  func.func @transform_8(%arg0: i32) -> (i32, i32) {
    %c0_i32 = arith.constant 0 : i32
    %c0_i32_0 = arith.constant 0 : i32
    %c0_i32_1 = arith.constant 0 : i32
    return %c0_i32, %c0_i32_0 : i32, i32
  }
  func.func @transform_9(%arg0: i32) -> (i32, i32) {
    %c0_i32 = arith.constant 0 : i32
    %c0_i32_0 = arith.constant 0 : i32
    %c0_i32_1 = arith.constant 0 : i32
    return %c0_i32, %c0_i32_0 : i32, i32
  }
  func.func @transform_10(%arg0: i32) -> (i32, i32) {
    %c0_i32 = arith.constant 0 : i32
    %c0_i32_0 = arith.constant 0 : i32
    %c0_i32_1 = arith.constant 0 : i32
    return %c0_i32, %c0_i32_0 : i32, i32
  }
  func.func @transform_11(%arg0: i32) -> (i32, i32) {
    %c0_i32 = arith.constant 0 : i32
    %c0_i32_0 = arith.constant 0 : i32
    %c0_i32_1 = arith.constant 0 : i32
    return %c0_i32, %c0_i32_0 : i32, i32
  }
  func.func @transform_12(%arg0: i32) -> (i32, i32) {
    %c0_i32 = arith.constant 0 : i32
    %c0_i32_0 = arith.constant 0 : i32
    %c0_i32_1 = arith.constant 0 : i32
    return %c0_i32, %c0_i32_0 : i32, i32
  }
  func.func @transform_13(%arg0: i32) -> (i32, i32) {
    %c0_i32 = arith.constant 0 : i32
    %c0_i32_0 = arith.constant 0 : i32
    %c0_i32_1 = arith.constant 0 : i32
    return %c0_i32, %c0_i32_0 : i32, i32
  }
  func.func @transform_14(%arg0: i32) -> (i32, i32) {
    %c0_i32 = arith.constant 0 : i32
    %c0_i32_0 = arith.constant 0 : i32
    %c0_i32_1 = arith.constant 0 : i32
    return %c0_i32, %c0_i32_0 : i32, i32
  }
  func.func @transform_15(%arg0: i32) -> (i32, i32, i32) {
    %c0_i32 = arith.constant 0 : i32
    %c0_i32_0 = arith.constant 0 : i32
    %c0_i32_1 = arith.constant 0 : i32
    return %arg0, %c0_i32, %c0_i32_0 : i32, i32, i32
  }
  func.func @transform_16(%arg0: i32) -> (i32, i32, i32) {
    %c0_i32 = arith.constant 0 : i32
    %c0_i32_0 = arith.constant 0 : i32
    %c0_i32_1 = arith.constant 0 : i32
    return %arg0, %c0_i32, %c0_i32_0 : i32, i32, i32
  }
}

module attributes {stable_mosaic.version = 14 : i64} {
  func.func @_head_body(%arg0: memref<64x192xf32, #tpu.memory_space<vmem>>, %arg1: memref<192x1024xf32, #tpu.memory_space<vmem>>, %arg2: memref<1x1024xf32, #tpu.memory_space<vmem>>, %arg3: memref<1x1024xf32, #tpu.memory_space<vmem>>, %arg4: memref<1x1024xf32, #tpu.memory_space<vmem>>, %arg5: memref<1x1024xf32, #tpu.memory_space<vmem>>, %arg6: memref<1x1xf32, #tpu.memory_space<vmem>>, %arg7: memref<64x1xf32, #tpu.memory_space<vmem>>) attributes {dimension_semantics = [], scalar_prefetch = 0 : i64, scratch_operands = 0 : i64, tpu.core_type = #tpu.core_type<tc>} {
    %get3A = arith.constant 0 : index
    %get3A_0 = arith.constant 0 : index
    %get3A_1 = vector.load %arg0[%get3A, %get3A_0] : memref<64x192xf32, #tpu.memory_space<vmem>>, vector<64x192xf32>
    %get3A_2 = arith.constant 0 : index
    %get3A_3 = arith.constant 0 : index
    %get3A_4 = vector.load %arg1[%get3A_2, %get3A_3] : memref<192x1024xf32, #tpu.memory_space<vmem>>, vector<192x1024xf32>
    %dot_general3A = arith.constant dense<0.000000e+00> : vector<64x1024xf32>
    %dot_general3A_5 = tpu.matmul %get3A_1, %get3A_4, %dot_general3A {dimension_numbers = #tpu.dot_dimension_numbers<[1], [0], [0], [1], [0, 0, 1, 1], [], []>, transpose_lhs_hint = false} : vector<64x192xf32>, vector<192x1024xf32>, vector<64x1024xf32> -> vector<64x1024xf32>
    %get3A_6 = arith.constant 0 : index
    %get3A_7 = arith.constant 0 : index
    %get3A_8 = vector.load %arg2[%get3A_6, %get3A_7] : memref<1x1024xf32, #tpu.memory_space<vmem>>, vector<1x1024xf32>
    %add3A = vector.broadcast %get3A_8 : vector<1x1024xf32> to vector<64x1024xf32>
    %add3A_9 = arith.addf %dot_general3A_5, %add3A : vector<64x1024xf32>
    %get3A_10 = arith.constant 0 : index
    %get3A_11 = arith.constant 0 : index
    %get3A_12 = vector.load %arg3[%get3A_10, %get3A_11] : memref<1x1024xf32, #tpu.memory_space<vmem>>, vector<1x1024xf32>
    %mul3A = vector.broadcast %get3A_12 : vector<1x1024xf32> to vector<64x1024xf32>
    %mul3A_13 = arith.mulf %add3A_9, %mul3A : vector<64x1024xf32>
    %get3A_14 = arith.constant 0 : index
    %get3A_15 = arith.constant 0 : index
    %get3A_16 = vector.load %arg4[%get3A_14, %get3A_15] : memref<1x1024xf32, #tpu.memory_space<vmem>>, vector<1x1024xf32>
    %add3A_17 = vector.broadcast %get3A_16 : vector<1x1024xf32> to vector<64x1024xf32>
    %add3A_18 = arith.addf %mul3A_13, %add3A_17 : vector<64x1024xf32>
    %integer_pow3A = arith.mulf %add3A_18, %add3A_18 : vector<64x1024xf32>
    %integer_pow3A_19 = arith.mulf %add3A_18, %integer_pow3A : vector<64x1024xf32>
    %mul3A_20 = arith.constant 4.471500e-02 : f32
    %mul3A_21 = vector.broadcast %mul3A_20 : f32 to vector<64x1024xf32>
    %mul3A_22 = arith.mulf %mul3A_21, %integer_pow3A_19 : vector<64x1024xf32>
    %add3A_23 = arith.addf %add3A_18, %mul3A_22 : vector<64x1024xf32>
    %mul3A_24 = arith.constant 0.797884583 : f32
    %mul3A_25 = vector.broadcast %mul3A_24 : f32 to vector<64x1024xf32>
    %mul3A_26 = arith.mulf %mul3A_25, %add3A_23 : vector<64x1024xf32>
    %tanh3A = math.tanh %mul3A_26 : vector<64x1024xf32>
    %add3A_27 = arith.constant 1.000000e+00 : f32
    %add3A_28 = vector.broadcast %add3A_27 : f32 to vector<64x1024xf32>
    %add3A_29 = arith.addf %add3A_28, %tanh3A : vector<64x1024xf32>
    %mul3A_30 = arith.constant 5.000000e-01 : f32
    %mul3A_31 = vector.broadcast %mul3A_30 : f32 to vector<64x1024xf32>
    %mul3A_32 = arith.mulf %mul3A_31, %add3A_29 : vector<64x1024xf32>
    %mul3A_33 = arith.mulf %add3A_18, %mul3A_32 : vector<64x1024xf32>
    %get3A_34 = arith.constant 0 : index
    %get3A_35 = arith.constant 0 : index
    %get3A_36 = vector.load %arg5[%get3A_34, %get3A_35] : memref<1x1024xf32, #tpu.memory_space<vmem>>, vector<1x1024xf32>
    %mul3A_37 = vector.broadcast %get3A_36 : vector<1x1024xf32> to vector<64x1024xf32>
    %mul3A_38 = arith.mulf %mul3A_33, %mul3A_37 : vector<64x1024xf32>
    %reduce_sum3A = arith.constant dense<0.000000e+00> : vector<64xf32>
    %reduce_sum3A_39 = vector.multi_reduction <add>, %mul3A_38, %reduce_sum3A [1] : vector<64x1024xf32> to vector<64xf32>
    %broadcast_in_dim3A = vector.shape_cast %reduce_sum3A_39 : vector<64xf32> to vector<64x1xf32>
    %get3A_40 = arith.constant 0 : index
    %get3A_41 = arith.constant 0 : index
    %get3A_42 = vector.load %arg6[%get3A_40, %get3A_41] : memref<1x1xf32, #tpu.memory_space<vmem>>, vector<1x1xf32>
    %add3A_43 = vector.broadcast %get3A_42 : vector<1x1xf32> to vector<64x1xf32>
    %add3A_44 = arith.addf %broadcast_in_dim3A, %add3A_43 : vector<64x1xf32>
    %swap3A = arith.constant 0 : index
    %swap3A_45 = arith.constant 0 : index
    %swap3A_46 = vector.load %arg7[%swap3A, %swap3A_45] : memref<64x1xf32, #tpu.memory_space<vmem>>, vector<64x1xf32>
    tpu.vector_store %arg7[%swap3A, %swap3A_45], %add3A_44 {strides = array<i32>} : memref<64x1xf32, #tpu.memory_space<vmem>>, vector<64x1xf32>,
    return
  }
}

</mosaic_0001>

<sc_bundles>
// kernel: sparse-core-data-format-call.cloned.1.call-start
scs
called_computation_lowered:
.L_overlay_start_0:
0x0: {  	s1 =	sld [smem:$0x3FD9]  }
0x1: {  	s2 =	sld [smem:$0x3FFE];
	_ =	sdelay $0x1  }
0x2: {  	s3 =	srdreg.scid  }
0x3: {  	s0 =	sand.u32 $0x1, s3  }
0x4: {  	s17 =	sshll.u32 s0, $0xA;
	s1 =	sadd.s32 s2, s1  }
0x5: {  	s1 =	sadd.s32 s1, s17  }
0x6: {  	[smem:$0x3FB4] =	sst s1  }
0x7: {  	_ = 	snop  }
0x8: {  	(tm) =	ssettm $0x1  }
0x9: {  	s18 =	sld [smem:$0x3FFB];
	_ =	sdelay $0x3  }
0xa: {  	_ =	strace s18  }
0xb: {  	s1 =	sld [smem:$0x3FFC];
	_ =	sdelay $0x3  }
0xc: {  	_ =	strace s1  }
0xd: {  	s1 =	sld [smem:$0x3FFD];
	_ =	sdelay $0x3  }
0xe: {  	_ =	strace s1  }
0xf: {  	_ =	strace $0x8FFFFFFF  }
0x10: {  	s19 =	sld [smem:$0x3FDB];
	_ =	sdelay $0x1  }
0x11: {  	s20 =	simm.s32 $_scs_section_size  }
0x12: {  	s4 =	simm.s32 $_size__tile_overlayer_lowered;
	s5 =	simm.s32 $_tile_overlayer_lowered  }
0x13: {  	s23 =	simm.s32 $0x1BFF;
	s22 =	sshll.u32 s5, $0x1;
	s1 =	sadd.s32 s20, s19  }
0x14: {  	s6 =	simm.s32 $0x0;
	s21 =	sshll.u32 s4, $0x1;
	s4 =	sadd.s32 s22, s1  }
0x15: {  	[timem:s6], [sflag:s23] =	dma.local [hbm:s4], s21  }
0x16: {  	_ =	swait.ge [sflag:s23], s21  }
0x17: {  	s2 =	ssub.s32 $0x0, s21;
	[sflag:s23] =	ssyncset.done $0x0  }
0x18: {  	[sflag:s23] =	ssyncadd.s32 s2;
	_ =	sdelay $0x1  }
0x19: {  	s24 =	simm.s32 $0x1B8B  }
0x1a: {  	_ =	swait.ge [sflag:s24], $0x1  }
0x1b: {  	[sflag:s24] =	ssyncset.done $0x0  }
0x1c: {  	s26 =	simm.s32 $0x1B8E;
	s25 =	sld [smem:$0x3FFE];
	[sflag:s24] =	ssyncadd.s32 $0xFFFFFFFF  }
0x1d: {  	s27 =	simm.s32 $execute0_lowered;
	[smem:$0x3FD2] =	sst s26  }
0x1e: {  	s4 =	sshll.u32 s27, $0x1;
	_ =	strace $0x80000046;
	[dreg:$0x1] =	wrdreg $0xFFFFFFFF  }
0x1f: {  	s28 =	simm.s32 $_size_execute0_lowered;
	s1 =	sadd.s32 s1, s4;
	[dreg:$0x0] =	wrdreg $0x0  }
0x20: {  	s4 =	sshll.u32 s28, $0x1;
	[dreg:$0x2] =	wrdreg s1  }
0x21: {  	[dreg:$0x3] =	wrdreg s4  }
0x22: {  	[dreg:$0x4] =	wrdreg $0xC0  }
0x23: {  	_ =	task [dreg:s6], $0x5FFFF  }
0x24: {  	[dreg:$0x1] =	wrdreg $0xFFFFFFFF  }
0x25: {  	[dreg:$0x0] =	wrdreg $0x60  }
0x26: {  	[dreg:$0x2] =	wrdreg s25  }
0x27: {  	[dreg:$0x3] =	wrdreg $0x9  }
0x28: {  	_ =	task.clear_ibuf [dreg:s6], $0x4FFFF;
	_ =	strace $0x90000046  }
0x29: {  	s29 =	simm.s32 $0x9;
	_ =	strace $0x80000048  }
0x2a: {  	_ =	swait.ge [sflag:s29], $0x1  }
0x2b: {  	[sflag:s29] =	ssyncadd.s32 $0xFFFFFFFF  }
0x2c: {  	_ =	strace $0x90000048  }
0x2d: {  	_ =	sfence  }
0x2e: {  	s30 =	sld [smem:$0x0];
	_ =	sdelay $0x2  }
0x2f: {  	s31 =	sshll.u32 s3, $0xD;
	s3 =	sshrl.u32 s3, $0x2  }
0x30: {  	s2 =	sand.u32 $0x4000, s31;
	s1 =	sadd.s32 s3, s30  }
0x31: {  	s0 =	sor.u32 s2, s0;
	s1 =	sshll.u32 s1, $0x11  }
0x32: {  	s0 =	sor.u32 s1, s0  }
0x33: {  	s0 =	sadd.s32 $0x8F2B, s0  }
0x34: {  	[sflag:s0] =	ssyncadd.remote.s32 $0x1  }
0x35: {  	_ =	sfence.sel $0xFFFF  }
0x36: {  	[dreg:$0x0] =	wrdreg $0xFFFFFFFF;
	(pc) =	sbr.abs _section_cstart, $3  }
0x37: {  	[dreg:$0x1] =	wrdreg $0xFFFFFFFF  }
0x38: {  	_ =	task.clear_ibuf [dreg:s6], $0x2FFFF;
	_ =	strace $0x9FFFFFFF  }
0x39: {  	(tm) =	ssettm $0x7FFFFFFF  }
tec
execute0_lowered:
.L_overlay_start_1:
0x0: {  	(tag) =	ssettag $0x1  }
0x1: {  	s11 =	stileid.u32  }
0x2: {  	s0 =	srdreg.scid;
	s4 =	rddreg [dreg:$0x0]  }
0x3: {  	_ =	strace $0x80000047;
	s21 =	simm.s32 $0x2;
	s30 =	simm.s32 $0x0  }
0x4: {  	s31 =	simm.s32 $0x0;
	s27 =	stileid.u32;
	s28 =	simm.s32 $0x0  }
0x5: {  	s29 =	simm.s32 $0x0;
	s1 =	ssub.s32 $0xE, s11;
	s2 =	sand.u32 $0x1, s0  }
0x6: {  	s20 =	sadd.s32 $0x2600, s4;
	s5 =	sadd.s32 $0x24E600, s4;
	s22 =	sadd.s32 $0x3400, s4  }
0x7: {  	s23 =	sadd.s32 $0x4200, s4;
	s24 =	sadd.s32 $0x5000, s4;
	s25 =	sadd.s32 $0x5E00, s4  }
0x8: {  	s26 =	sadd.s32 $0x6C00, s4;
	s12 =	sadd.s32 $0x7A00, s4;
	s13 =	sadd.s32 $0x8800, s4  }
0x9: {  	s14 =	sadd.s32 $0x9600, s4;
	s15 =	sadd.s32 $0xA400, s4;
	[dreg:$0x2] =	wrdreg s20  }
0xa: {  	s16 =	sadd.s32 $0xB200, s4;
	s17 =	sadd.s32 $0xC000, s4;
	[dreg:$0x3] =	wrdreg s5  }
0xb: {  	s18 =	sadd.s32 $0xCE00, s4;
	p0 =	sgt.s32 s1, $0x0;
	[dreg:$0x4] =	wrdreg s22  }
0xc: {  	s0 =	ssub.s32 $0xE, s2;
	[dreg:$0x5] =	wrdreg s23;
	s1 =	simm.s32 @!p0 $0x0  }
0xd: {  	[dreg:$0x6] =	wrdreg s24;
	s3 =	sshrl.u32 s0, $0x1;
	s1 =	sadd.s32 $0xF, s1  }
0xe: {  	[dreg:$0x7] =	wrdreg s25;
	s0 =	ssub.s32 s0, s3;
	s1 =	sshrl.u32 s1, $0x4  }
0xf: {  	s19 =	sadd.s32 $0xDC00, s4;
	[dreg:$0x8] =	wrdreg s26;
	s0 =	smul.u32 s0, s1  }
.Ltmp0:
0x10: {  	s20 =	sadd.s32 $0xEA00, s4;
	s23 =	simm.s32 $0x40;
	(pc) =	sbr.rel .LBB1_1-.Ltmp0, $4  }
0x11: {  	s24 =	simm.s32 $0x80;
	s25 =	simm.s32 $0x0;
	s3 =	simm.s32 $0x1  }
0x12: {  	s26 =	smov.u32 s2;
	[sflag:s3] =	ssyncpa.u1 $0x0;
	s6 =	smul.u32 $0x3, s0  }
0x13: {  	p0 =	por $0x0, $0x0;
	[sflag:s21] =	ssyncpa.u1 $0x0;
	s21 =	sadd.s32 $0xF800, s4  }
0x14: {  	s1 =	simm.s32 $0x0;
	s0 =	simm.s32 $0x0;
	s22 =	sadd.s32 $0x1, s6  }
.LBB1_9:
0x15: {  	s4 =	sadd.s32 $0x2, s26  }
0x16: {  	s0 =	sadd.s32 $0x10, s25;
	s5 =	smov.u32 s25;
	p2 =	sgt.s32 s4, $0xD  }
0x17: {  	s5 =	smov.u32 @p2 s0  }
0x18: {  	s7 =	smov.u32 s27;
	s0 =	sadd.s32 $0x10, s27;
	p3 =	sgt.s32 s5, $0xF  }
0x19: {  	s7 =	smov.u32 @p3 s0  }
0x1a: {  	s0 =	simm.s32 $0x1;
	p4 =	sgt.s32 s7, $0xD  }
0x1b: {  	s0 =	simm.s32 @!p4 $0x0  }
0x1c: {  	p1 =	slt.u32 s29, $0x2;
	s9 =	sadd.s32 s0, s28  }
0x1d: {  	s30 =	smov.u32 s26;
	s4 =	smov.u32 @p2 s2;
	p2 =	sgt.s32 s9, $0x2  }
0x1e: {  	s8 =	simm.s32 @!p1 $0x2;
	s9 =	simm.s32 @p2 $0x0;
	p2 =	sne.s32 s29, s22  }
.Ltmp1:
0x1f: {  	s31 =	smov.u32 s25;
	_ =	swait.ge @!p1 [sflag:s8], $0x4000;
	(pc) =	sbr.rel @!p2 .LBB1_10-.Ltmp1, $4  }
0x20: {  	s1 =	smov.u32 s27;
	p0 =	por !p0, !p0;
	[sflag:s8] =	ssyncset.done @!p1 $0x0  }
0x21: {  	s26 =	smov.u32 s4;
	s5 =	simm.s32 @p3 $0x0;
	[sflag:s8] =	ssyncadd.s32 @!p1 $0xFFFFC000  }
0x22: {  	s25 =	smov.u32 s5;
	s7 =	smov.u32 @p4 s11;
	s0 =	smov.u32 s28  }
0x23: {  	s27 =	smov.u32 s7;
	s29 =	sadd.s32 $0x1, s29;
	s28 =	smov.u32 s9  }
.LBB1_1:
0x24: {  	p1 =	sge.u32 s29, s6  }
.Ltmp2:
0x25: {  	_ = 	snop;
	(pc) =	sbr.rel @p1 .LBB1_3-.Ltmp2, $1  }
0x26: {  	_ =	sdelay $0x3  }
0x27: {  	s5 =	smul.u32 $0xC4000, s28  }
0x28: {  	s7 =	smul.u32 $0xE000, s27  }
0x29: {  	s4 =	smul.u32 $0xE00, s25  }
0x2a: {  	s9 =	rddreg [dreg:$0x2]  }
0x2b: {  	s8 =	sxor.u32 $0xFFFFFFFF, s29;
	s5 =	sadd.s32 s5, s7;
	s9 =	sadd.s32 s9, s4  }
0x2c: {  	s8 =	sshll.u32 s8, $0xE;
	s7 =	sshll.u32 s26, $0x8;
	s9 =	sadd.s32 s5, s9  }
0x2d: {  	s10 =	rddreg [dreg:$0x4];
	s8 =	sand.u32 $0x4000, s8;
	s9 =	sadd.s32 s7, s9  }
0x2e: {  	[tilespmem:s8], [sflag:$0x1] =	stream.strided.gather [hbm4b:s9+s23], $0x400, s24, s23, $0x38;
	[tilespmem:$0x10000] =	vst v63  }
0x2f: {  	s9 =	sadd.s32 s4, s10  }
0x30: {  	s9 =	sadd.s32 s5, s9  }
0x31: {  	s10 =	sor.u32 $0x400, s8;
	s9 =	sadd.s32 s7, s9  }
0x32: {  	[tilespmem:s10], [sflag:$0x1] =	stream.strided.gather [hbm4b:s9+s23], $0x400, s24, s23, $0x38;
	[tilespmem:$0x10000] =	vst v63  }
0x33: {  	s10 =	rddreg [dreg:$0x5]  }
0x34: {  	s9 =	sadd.s32 s4, s10  }
0x35: {  	s9 =	sadd.s32 s5, s9  }
0x36: {  	s10 =	sor.u32 $0x800, s8;
	s9 =	sadd.s32 s7, s9  }
0x37: {  	[tilespmem:s10], [sflag:$0x1] =	stream.strided.gather [hbm4b:s9+s23], $0x400, s24, s23, $0x38;
	[tilespmem:$0x10000] =	vst v63  }
0x38: {  	s10 =	rddreg [dreg:$0x6]  }
0x39: {  	s9 =	sadd.s32 s4, s10  }
0x3a: {  	s9 =	sadd.s32 s5, s9  }
0x3b: {  	s10 =	sor.u32 $0xC00, s8;
	s9 =	sadd.s32 s7, s9  }
0x3c: {  	[tilespmem:s10], [sflag:$0x1] =	stream.strided.gather [hbm4b:s9+s23], $0x400, s24, s23, $0x38;
	[tilespmem:$0x10000] =	vst v63  }
0x3d: {  	s10 =	rddreg [dreg:$0x7]  }
0x3e: {  	s9 =	sadd.s32 s4, s10  }
0x3f: {  	s9 =	sadd.s32 s5, s9  }
0x40: {  	s10 =	sor.u32 $0x1000, s8;
	s9 =	sadd.s32 s7, s9  }
0x41: {  	[tilespmem:s10], [sflag:$0x1] =	stream.strided.gather [hbm4b:s9+s23], $0x400, s24, s23, $0x38;
	[tilespmem:$0x10000] =	vst v63  }
0x42: {  	s10 =	rddreg [dreg:$0x8]  }
0x43: {  	s9 =	sadd.s32 s4, s10  }
0x44: {  	s9 =	sadd.s32 s5, s9  }
0x45: {  	s10 =	sor.u32 $0x1400, s8;
	s9 =	sadd.s32 s7, s9  }
0x46: {  	[tilespmem:s10], [sflag:$0x1] =	stream.strided.gather [hbm4b:s9+s23], $0x400, s24, s23, $0x38;
	[tilespmem:$0x10000] =	vst v63  }
0x47: {  	s10 =	sadd.s32 s4, s12  }
0x48: {  	s9 =	sadd.s32 s5, s10  }
0x49: {  	s10 =	sor.u32 $0x1800, s8;
	s9 =	sadd.s32 s7, s9  }
0x4a: {  	[tilespmem:s10], [sflag:$0x1] =	stream.strided.gather [hbm4b:s9+s23], $0x400, s24, s23, $0x38;
	[tilespmem:$0x10000] =	vst v63  }
0x4b: {  	s10 =	sadd.s32 s4, s13  }
0x4c: {  	s9 =	sadd.s32 s5, s10  }
0x4d: {  	s10 =	sor.u32 $0x1C00, s8;
	s9 =	sadd.s32 s7, s9  }
0x4e: {  	[tilespmem:s10], [sflag:$0x1] =	stream.strided.gather [hbm4b:s9+s23], $0x400, s24, s23, $0x38;
	[tilespmem:$0x10000] =	vst v63  }
0x4f: {  	s10 =	sadd.s32 s4, s14  }
0x50: {  	s9 =	sadd.s32 s5, s10  }
0x51: {  	s10 =	sor.u32 $0x2000, s8;
	s9 =	sadd.s32 s7, s9  }
0x52: {  	[tilespmem:s10], [sflag:$0x1] =	stream.strided.gather [hbm4b:s9+s23], $0x400, s24, s23, $0x38;
	[tilespmem:$0x10000] =	vst v63  }
0x53: {  	s10 =	sadd.s32 s4, s15  }
0x54: {  	s9 =	sadd.s32 s5, s10  }
0x55: {  	s10 =	sor.u32 $0x2400, s8;
	s9 =	sadd.s32 s7, s9  }
0x56: {  	[tilespmem:s10], [sflag:$0x1] =	stream.strided.gather [hbm4b:s9+s23], $0x400, s24, s23, $0x38;
	[tilespmem:$0x10000] =	vst v63  }
0x57: {  	s10 =	sadd.s32 s4, s16  }
0x58: {  	s9 =	sadd.s32 s5, s10  }
0x59: {  	s10 =	sor.u32 $0x2800, s8;
	s9 =	sadd.s32 s7, s9  }
0x5a: {  	[tilespmem:s10], [sflag:$0x1] =	stream.strided.gather [hbm4b:s9+s23], $0x400, s24, s23, $0x38;
	[tilespmem:$0x10000] =	vst v63  }
0x5b: {  	s10 =	sadd.s32 s4, s17  }
0x5c: {  	s9 =	sadd.s32 s5, s10  }
0x5d: {  	s10 =	sor.u32 $0x2C00, s8;
	s9 =	sadd.s32 s7, s9  }
0x5e: {  	[tilespmem:s10], [sflag:$0x1] =	stream.strided.gather [hbm4b:s9+s23], $0x400, s24, s23, $0x38;
	[tilespmem:$0x10000] =	vst v63  }
0x5f: {  	s10 =	sadd.s32 s4, s18  }
0x60: {  	s9 =	sadd.s32 s5, s10  }
0x61: {  	s10 =	sor.u32 $0x3000, s8;
	s9 =	sadd.s32 s7, s9  }
0x62: {  	[tilespmem:s10], [sflag:$0x1] =	stream.strided.gather [hbm4b:s9+s23], $0x400, s24, s23, $0x38;
	[tilespmem:$0x10000] =	vst v63  }
0x63: {  	s10 =	sadd.s32 s4, s19  }
0x64: {  	s9 =	sadd.s32 s5, s10  }
0x65: {  	s10 =	sor.u32 $0x3400, s8;
	s9 =	sadd.s32 s7, s9  }
0x66: {  	[tilespmem:s10], [sflag:$0x1] =	stream.strided.gather [hbm4b:s9+s23], $0x400, s24, s23, $0x38;
	[tilespmem:$0x10000] =	vst v63  }
0x67: {  	s10 =	sadd.s32 s4, s20  }
0x68: {  	s4 =	sadd.s32 s4, s21;
	s9 =	sadd.s32 s5, s10  }
0x69: {  	s10 =	sor.u32 $0x3800, s8;
	s4 =	sadd.s32 s5, s4;
	s9 =	sadd.s32 s7, s9  }
0x6a: {  	[tilespmem:s10], [sflag:$0x1] =	stream.strided.gather [hbm4b:s9+s23], $0x400, s24, s23, $0x38;
	[tilespmem:$0x10000] =	vst v63  }
0x6b: {  	s4 =	sadd.s32 s7, s4;
	s10 =	sor.u32 $0x3C00, s8  }
0x6c: {  	[tilespmem:s10], [sflag:$0x1] =	stream.strided.gather [hbm4b:s4+s23], $0x400, s24, s23, $0x38;
	[tilespmem:$0x10000] =	vst v63  }
.LBB1_3:
0x6d: {  	s4 =	sadd.s32 $0xFFFFFFFF, s29  }
0x6e: {  	p1 =	sge.u32 s4, s6  }
.Ltmp3:
0x6f: {  	_ = 	snop;
	(pc) =	sbr.rel @p1 .LBB1_9-.Ltmp3, $1  }
0x70: {  	_ =	sdelay $0x3  }
0x71: {  	s4 =	simm.s32 $0x1;
	_ =	swait.ge [sflag:s3], $0x4000;
	s8 =	sshll.u32 s29, $0xE  }
0x72: {  	s4 =	simm.s32 @!p0 $0x0;
	[sflag:s3] =	ssyncset.done $0x0;
	s11 =	sand.u32 $0x4000, s8  }
0x73: {  	s8 =	simm.s32 $0x0;
	s4 =	sshll.u32 s4, $0xE;
	[sflag:s3] =	ssyncadd.s32 $0xFFFFC000  }
0x74: {  	s5 =	sor.u32 $0x8020, s4;
	s7 =	sor.u32 $0x20, s4;
	s4 =	sor.u32 $0x8000, s11  }
.LBB1_5:
0x75: {  	v1 =	vmov s7;
	_ =	sdelay $0x3  }
0x76: {  	s9 =	simm.s32 $0x0  }
0x77: {  	v3 =	vld.idx.msk [tilespmem:v1+s9+$0x10 ss:$0x1], $0xffff  }
0x78: {  	v0 =	vmov s5;
	v4 =	vld.idx.msk [tilespmem:v1+s9+$0xFFFFFFE0 ss:$0x1], $0xffff  }
0x79: {  	v2 =	vld.idx.msk [tilespmem:v1+s9+$0xFFFFFFF0 ss:$0x1], $0xffff  }
0x7a: {  	s10 =	simm.s32 $0x100;
	v5 =	vld.idx.msk [tilespmem:v1+s9+$0x0 ss:$0x1], $0xffff  }
.LBB1_6:
0x7b: {  	p1 =	sne.s32 s10, $0xF00  }
.Ltmp4:
0x7c: {  	s11 =	sshra.s32 s10, $0x2;
	s10 =	sadd.s32 $0x100, s10;
	(pc) =	sbr.rel @p1 .LBB1_6-.Ltmp4, $4  }
0x7d: {  	[tilespmem:v0+s9+$0x10 ss:$0x1] =	vst.idx.msk $0xffff, v3;
	v3 =	vld.idx.msk [tilespmem:v1+s11+$0x10 ss:$0x1], $0xffff  }
0x7e: {  	[tilespmem:v0+s9+$0xFFFFFFE0 ss:$0x1] =	vst.idx.msk $0xffff, v4;
	v4 =	vld.idx.msk [tilespmem:v1+s11+$0xFFFFFFE0 ss:$0x1], $0xffff  }
0x7f: {  	[tilespmem:v0+s9+$0xFFFFFFF0 ss:$0x1] =	vst.idx.msk $0xffff, v2;
	v2 =	vld.idx.msk [tilespmem:v1+s11+$0xFFFFFFF0 ss:$0x1], $0xffff  }
0x80: {  	[tilespmem:v0+s9+$0x0 ss:$0x1] =	vst.idx.msk $0xffff, v5;
	v5 =	vld.idx.msk [tilespmem:v1+s11+$0x0 ss:$0x1], $0xffff;
	s9 =	smov.u32 s11  }
0x81: {  	_ = 	snop  }
0x82: {  	s8 =	sadd.s32 $0x1, s8  }
0x83: {  	p1 =	sne.s32 s8, $0x10  }
.Ltmp5:
0x84: {  	_ = 	snop;
	(pc) =	sbr.rel @p1 .LBB1_5-.Ltmp5, $4  }
0x85: {  	[tilespmem:v0+s9+$0x10 ss:$0x1] =	vst.idx.msk $0xffff, v3  }
0x86: {  	[tilespmem:v0+s9+$0xFFFFFFE0 ss:$0x1] =	vst.idx.msk $0xffff, v4  }
0x87: {  	[tilespmem:v0+s9+$0xFFFFFFF0 ss:$0x1] =	vst.idx.msk $0xffff, v2  }
0x88: {  	s5 =	sadd.s32 $0x400, s5;
	s7 =	sadd.s32 $0x400, s7;
	[tilespmem:v0+s9+$0x0 ss:$0x1] =	vst.idx.msk $0xffff, v5  }
0x89: {  	s1 =	smul.u32 $0x2A000, s1;
	s0 =	sshll.u32 s0, $0xC;
	s5 =	rddreg [dreg:$0x3]  }
.Ltmp6:
0x8a: {  	s0 =	sadd.s32 s5, s0;
	(pc) =	sbr.rel .LBB1_9-.Ltmp6, $4  }
0x8b: {  	s30 =	smul.u32 $0x3000, s30;
	s7 =	sshll.u32 s31, $0x8;
	s0 =	sadd.s32 s1, s0  }
0x8c: {  	s0 =	sadd.s32 s7, s0  }
0x8d: {  	s11 =	stileid.u32;
	s0 =	sadd.s32 s30, s0  }
0x8e: {  	[hbm4b:s0+s23] =	stream.strided.scatter [tilespmem:s4], [sflag:$0x2], $0x4000, s24, s23, $0x38;
	[tilespmem:$0x10000] =	vst v63  }
.LBB1_10:
0x8f: {  	_ =	sfence.sel $0x180000  }
0x90: {  	s0 =	simm.s32 $0x1;
	[bflag:$0x0] =	sbarrier.arrive $0xFFFF  }
0x91: {  	s31 =	simm.s32 $0x2;
	[sflag:s0] =	ssyncpa.u1 $0x1  }
0x92: {  	[sflag:s31] =	ssyncpa.u1 $0x1  }
0x93: {  	_ =	strace $0x90000047  }
0x94: {  	[bflag:$0x2] =	sbarrier.arrive $0xFFFF  }
0x95: {  	p0 =	sne.s32 s11, $0x0;
	s0 =	rddreg [dreg:$0x1]  }
0x96: {  	s0 =	sadd.s32 @!p0 $0x100000, s0  }
0x97: {  	[sflag:s0] =	ssyncadd.tile.s32 @!p0 $0x1;
	_ =	shalt  }
.Lfunc_end1:
_tile_overlayer_lowered:
.L_overlay_start_2:
0x98: {  	(tag) =	ssettag $0x2  }
0x99: {  	s0 =	rddreg [dreg:$0x0];
	s2 =	stileid.u32  }
0x9a: {  	s1 =	rddreg [dreg:$0x1];
	p0 =	sne.s32 s2, $0x0  }
0x9b: {  	s3 =	rddreg [dreg:$0x2];
	[bflag:$0x3] =	sbarrier.arrive $0xFFFF;
	s2 =	simm.s32 @!p0 $0x1C01  }
0x9c: {  	[timem:s3], [sflag:s2] =	dma.local @!p0 [hbm:s0], s1  }
0x9d: {  	s0 =	simm.s32 @!p0 $0x1  }
0x9e: {  	_ =	swait.ge @!p0 [sflag:s0], s1  }
0x9f: {  	s1 =	ssub.s32 @!p0 $0x0, s1;
	[sflag:s0] =	ssyncset.done @!p0 $0x0  }
0xa0: {  	[sflag:s0] =	ssyncadd.s32 @!p0 s1  }
0xa1: {  	[bflag:$0x3] =	sbarrier.arrive $0xFFFF  }
0xa2: {  	_ =	shalt  }

</sc_bundles>
